<compile_context>
chip_gen: v7x
topology: tpu7x:2x2x1
jax: 0.10.2.dev20260603
libtpu: 0.0.44.dev20260713+nightly
codegen_flags: <defaults>
</compile_context>

<pallas_src>
import functools

import jax
import jax.numpy as jnp
from jax import lax
from jax.experimental import pallas as pl
from jax.experimental.pallas import tpu as pltpu
from jax.experimental.pallas import tpu_sc as plsc

N = 10000
D = 128
E = 320000
P = 10240
JBLK = 256
ICH = 128

RWORK = 25
RC = N // RWORK
RCH = 5
RCW = RC // RCH
NTILES = 32
ECH = 2 * E // NTILES
EHALF = ECH // 2


def _dot_body(x_ref, w8_ref, out_ref):
    out_ref[...] = lax.dot_general(
        x_ref[...], w8_ref[...], (((1,), (1,)), ((), ())),
        preferred_element_type=jnp.float32)


def _rank_body(ucol_ref, urow2_ref, rank_ref):
    jb = pl.program_id(0)
    uj = ucol_ref[...]
    dlo = 2 * jb

    def body(c, acc):
        off = jnp.where(c < dlo, 0, P) + c * ICH
        si = urow2_ref[:, pl.ds(off, ICH)]
        return acc + (si > uj).astype(jnp.int32)

    acc = lax.fori_loop(0, P // ICH, body,
                        jnp.zeros((JBLK, ICH), jnp.int32))
    lane = lax.broadcasted_iota(jnp.int32, (JBLK, ICH), 1)
    sub = lax.broadcasted_iota(jnp.int32, (JBLK, ICH), 0)
    for dd in range(JBLK // ICH):
        sd = urow2_ref[:, pl.ds(P + (dlo + dd) * ICH, ICH)]
        acc = acc + ((sd == uj) & (lane + dd * ICH < sub)).astype(jnp.int32)
    rank_ref[...] = jnp.sum(acc, axis=1, keepdims=True)


@functools.cache
def _build_sc_permute():
  mesh = plsc.VectorSubcoreMesh(core_axis_name="c", subcore_axis_name="s")

  @functools.partial(
    pl.kernel, mesh=mesh,
    compiler_params=pltpu.CompilerParams(needs_layout_passes=False),
    out_type=(jax.ShapeDtypeStruct((N, D), jnp.float32),
              jax.ShapeDtypeStruct((N,), jnp.int32),
              jax.ShapeDtypeStruct((N,), jnp.float32),
              jax.ShapeDtypeStruct((2 * E,), jnp.int32)),
    scratch_types=[
        pltpu.VMEM((RC, D), jnp.float32),
        pltpu.VMEM((RC,), jnp.int32),
        pltpu.VMEM((N,), jnp.int32),
        pltpu.VMEM((N,), jnp.float32),
        pltpu.VMEM((N,), jnp.int32),
        pltpu.VMEM((N,), jnp.float32),
        pltpu.VMEM((EHALF,), jnp.int32),
        pltpu.VMEM((EHALF,), jnp.int32),
        pltpu.SemaphoreType.DMA,
    ],
  )
  def _sc_permute(rankf_hbm, x_hbm, t_hbm, eidx_hbm,
                  xnew_hbm, perm_hbm, sr_hbm, eout_hbm,
                  xrows_v, ridx_v, table_v, tfull_v, perml_v, srl_v,
                  eidx_v, eout_v, sem):
    wid = lax.axis_index("s") * 2 + lax.axis_index("c")

    pltpu.sync_copy(rankf_hbm, table_v)

    @pl.when(wid < RWORK)
    def _():
        pltpu.sync_copy(rankf_hbm.at[pl.ds(wid * RC, RC)], ridx_v)
        pltpu.sync_copy(x_hbm.at[pl.ds(wid * RC, RC)], xrows_v)
        handles = []
        for c in range(RC // 16):
            idx16 = ridx_v[pl.ds(c * 16, 16)]
            handles.append(
                pltpu.async_copy(xrows_v.at[pl.ds(c * 16, 16)],
                                 xnew_hbm.at[idx16], sem))
        for h in handles:
            h.wait()

    @pl.when(wid == RWORK)
    def _():
        def body(q, carry):
            idx16 = table_v[pl.ds(q * 16, 16)]
            j16 = q * 16 + lax.iota(jnp.int32, 16)
            plsc.store_scatter(perml_v, [idx16], j16)
            return carry

        lax.fori_loop(0, N // 16, body, 0)
        pltpu.sync_copy(perml_v, perm_hbm)

    @pl.when(wid == RWORK + 1)
    def _():
        pltpu.sync_copy(t_hbm, tfull_v)

        def body(q, carry):
            idx16 = table_v[pl.ds(q * 16, 16)]
            plsc.store_scatter(srl_v, [idx16], tfull_v[pl.ds(q * 16, 16)])
            return carry

        lax.fori_loop(0, N // 16, body, 0)
        pltpu.sync_copy(srl_v, sr_hbm)

    ebase = wid * ECH
    for h in range(2):
        pltpu.sync_copy(eidx_hbm.at[pl.ds(ebase + h * EHALF, EHALF)], eidx_v)

        def body(tt, carry):
            idx16 = eidx_v[pl.ds(tt * 16, 16)]
            eout_v[pl.ds(tt * 16, 16)] = plsc.load_gather(table_v, [idx16])
            return carry

        lax.fori_loop(0, EHALF // 16, body, 0)
        pltpu.sync_copy(eout_v, eout_hbm.at[pl.ds(ebase + h * EHALF, EHALF)])

  return _sc_permute


def kernel(x, edge_index, epoch, W, b):
    W8 = jnp.zeros((8, D), jnp.float32).at[0].set(W[0])
    xw8 = pl.pallas_call(
        _dot_body,
        out_shape=jax.ShapeDtypeStruct((N, 8), jnp.float32),
    )(x, W8)
    scores = (xw8[:, 0] + b[0]) / jnp.linalg.norm(W)

    s_pad = jnp.concatenate(
        [scores, jnp.full((P - N,), -jnp.inf, jnp.float32)])
    bits = lax.bitcast_convert_type(s_pad, jnp.int32)
    u = jnp.where(bits < 0, (~bits) ^ jnp.int32(-2**31), bits)
    urow2 = jnp.concatenate([u + 1, u]).reshape(1, 2 * P)
    rank_col = pl.pallas_call(
        _rank_body,
        grid=(P // JBLK,),
        in_specs=[pl.BlockSpec((JBLK, 1), lambda j: (j, 0)),
                  pl.BlockSpec((1, 2 * P), lambda j: (0, 0))],
        out_specs=pl.BlockSpec((JBLK, 1), lambda j: (j, 0)),
        out_shape=jax.ShapeDtypeStruct((P, 1), jnp.int32),
    )(u.reshape(P, 1), urow2)
    rank_flat = rank_col[:N, 0]

    x_new, perm, srf, eout = _build_sc_permute()(
        rank_flat, x, jnp.tanh(scores), edge_index.reshape(2 * E))
    return (x_new, eout.reshape(2, E), scores, perm, srf.reshape(N, 1))

# --- scband reference (transcript-rebuilt; emitter-appended) ---
"""Pipeline reference for scband-skip-pool-25890062861053 (READ-ONLY COPY).

The authoritative reference and input builder live on the scoring server;
editing this copy changes nothing except your own understanding.
"""

import jax, jax.numpy as jnp
import numpy as np
import math

N = 10000
E = 320000
D = 128
INIT_RATIO = 0.99999  # TopKPool scorer keeps the ratio passed at construction
LAST_RATIO = 0.5
TOT_EPOCHS = 100
TAU_A = 10.0
TAU_B = 0.1


def setup_inputs(seed: int = 0) -> dict:
    key = jax.random.key(seed)
    k1, k2, k3, k4 = jax.random.split(key, 4)
    x = jax.random.normal(k1, (N, D), dtype=jnp.float32)
    edge_index = jax.random.randint(k2, (2, E), 0, N, dtype=jnp.int32)
    epoch = 10
    # TopKPool score layer: Linear(in_channels, 1) -> weight [1, D], bias [1]
    W = jax.random.normal(k3, (1, D), dtype=jnp.float32) * 0.1
    b = jax.random.normal(k4, (1,), dtype=jnp.float32) * 0.1
    return {"x": x, "edge_index": edge_index, "epoch": epoch, "W": W, "b": b}


def reference(x, edge_index, epoch, W, b):
    num_nodes = x.shape[0]
    # TopKPool scorer: scores = Linear(x).squeeze() / ||W||   (dropout p=0 -> Identity)
    scores = (x @ W.T + b).reshape(-1) / jnp.linalg.norm(W)
    # topk(scores, ratio, batch) with a single graph: k = ceil(ratio * N)
    k = int(math.ceil(INIT_RATIO * num_nodes))  # = N here (ratio ~ 1)
    top_vals, perm = jax.lax.top_k(scores, k)
    x_new = x[perm]
    # filter_adj: relabel kept nodes, drop edges touching removed nodes
    mask = jnp.full((num_nodes,), -1, dtype=jnp.int32).at[perm].set(jnp.arange(k, dtype=jnp.int32))
    row = mask[edge_index[0]]
    col = mask[edge_index[1]]
    keep = (row >= 0) & (col >= 0)  # all True when k == N
    new_edge_index = jnp.stack([jnp.where(keep, row, -1), jnp.where(keep, col, -1)])
    # SKipPool: scores_ranked = non_linearity(scores[perm]).view(-1, 1)
    scores_ranked = jnp.tanh(scores[perm]).reshape(-1, 1)
    # annealed temperature (scalar, used downstream in soft skipping)
    tau0 = TAU_A * (TAU_B / TAU_A) ** (epoch / TOT_EPOCHS)
    return (x_new, new_edge_index, scores, perm, scores_ranked)

if __name__ == "__main__":
    import jax
    _d = setup_inputs()
    print(jax.jit(kernel)(*tuple(_d.values())))

</pallas_src>

<mosaic_0001>
#map = affine_map<(d0, d1) -> (0)>
#map1 = affine_map<(d0, d1) -> (0, 0)>
module attributes {stable_mosaic.version = 14 : i64} {
  func.func @_sc_permute(%arg0: i32, %arg1: i32, %arg2: memref<10000xi32, #tpu.memory_space<hbm>>, %arg3: memref<10000x128xf32, #tpu.memory_space<hbm>>, %arg4: memref<10000xf32, #tpu.memory_space<hbm>>, %arg5: memref<640000xi32, #tpu.memory_space<hbm>>, %arg6: memref<10000x128xf32, #tpu.memory_space<hbm>>, %arg7: memref<10000xi32, #tpu.memory_space<hbm>>, %arg8: memref<10000xf32, #tpu.memory_space<hbm>>, %arg9: memref<640000xi32, #tpu.memory_space<hbm>>, %arg10: memref<400x128xf32, #tpu.memory_space<vmem>>, %arg11: memref<400xi32, #tpu.memory_space<vmem>>, %arg12: memref<10000xi32, #tpu.memory_space<vmem>>, %arg13: memref<10000xf32, #tpu.memory_space<vmem>>, %arg14: memref<10000xi32, #tpu.memory_space<vmem>>, %arg15: memref<10000xf32, #tpu.memory_space<vmem>>, %arg16: memref<10000xi32, #tpu.memory_space<vmem>>, %arg17: memref<10000xi32, #tpu.memory_space<vmem>>, %arg18: memref<!tpu.dma_semaphore, #tpu.memory_space<semaphore_mem>>) attributes {dimension_semantics = [#tpu.dimension_semantics<core_parallel>, #tpu.dimension_semantics<subcore_parallel>], iteration_bounds = array<i64: 2, 16>, scalar_prefetch = 0 : i64, scratch_operands = 9 : i64, tpu.core_type = #tpu.core_type<sc_vector_subcore>, window_params = [{transform_indices = #map}, {transform_indices = #map1}, {transform_indices = #map}, {transform_indices = #map}, {transform_indices = #map1}, {transform_indices = #map}, {transform_indices = #map}, {transform_indices = #map}]} {
    %mul3A = arith.constant 2 : i32
    %mul3A_0 = arith.muli %arg1, %mul3A : i32
    %add3A = arith.addi %mul3A_0, %arg0 : i32
    "tpu.region"() ({
      %run_scoped3A = tpu.sem_alloc : memref<!tpu.dma_semaphore, #tpu.memory_space<semaphore_mem>>
      tpu.enqueue_dma source(%arg2 : memref<10000xi32, #tpu.memory_space<hbm>>) target(%arg12 : memref<10000xi32, #tpu.memory_space<vmem>>) target_semaphore(%run_scoped3A : memref<!tpu.dma_semaphore, #tpu.memory_space<semaphore_mem>>)
      tpu.wait_dma2 semaphore(%run_scoped3A : memref<!tpu.dma_semaphore, #tpu.memory_space<semaphore_mem>>) src(%arg2 : memref<10000xi32, #tpu.memory_space<hbm>>) dst(%arg12 : memref<10000xi32, #tpu.memory_space<vmem>>)
      tpu.yield
    }) : () -> ()
    %lt3A = arith.constant 25 : i32
    %lt3A_1 = arith.cmpi slt, %add3A, %lt3A : i32
    %convert_element_type3A = arith.extui %lt3A_1 : i1 to i32
    %cond3A = arith.constant 0 : i32
    %cond3A_2 = arith.cmpi ne, %convert_element_type3A, %cond3A : i32
    scf.if %cond3A_2 {
      %mul3A_33 = arith.constant 400 : i32
      %mul3A_34 = arith.muli %add3A, %mul3A_33 : i32
      "tpu.region"() ({
        %run_scoped3A = tpu.sem_alloc : memref<!tpu.dma_semaphore, #tpu.memory_space<semaphore_mem>>
        %dma_start3A_384 = tpu.memref_slice %arg2[%mul3A_34] : memref<10000xi32, #tpu.memory_space<hbm>> -> memref<400xi32, #tpu.memory_space<hbm>>
        %dma_start3A_385 = tpu.memref_slice %arg2[%mul3A_34] : memref<10000xi32, #tpu.memory_space<hbm>> -> memref<400xi32, #tpu.memory_space<hbm>>
        tpu.enqueue_dma source(%dma_start3A_385 : memref<400xi32, #tpu.memory_space<hbm>>) target(%arg11 : memref<400xi32, #tpu.memory_space<vmem>>) target_semaphore(%run_scoped3A : memref<!tpu.dma_semaphore, #tpu.memory_space<semaphore_mem>>)
        %dma_wait3A_386 = tpu.memref_slice %arg2[%mul3A_34] : memref<10000xi32, #tpu.memory_space<hbm>> -> memref<400xi32, #tpu.memory_space<hbm>>
        %dma_wait3A_387 = tpu.memref_slice %arg2[%mul3A_34] : memref<10000xi32, #tpu.memory_space<hbm>> -> memref<400xi32, #tpu.memory_space<hbm>>
        tpu.wait_dma2 semaphore(%run_scoped3A : memref<!tpu.dma_semaphore, #tpu.memory_space<semaphore_mem>>) src(%dma_wait3A_387 : memref<400xi32, #tpu.memory_space<hbm>>) dst(%arg11 : memref<400xi32, #tpu.memory_space<vmem>>)
        tpu.yield
      }) : () -> ()
      %mul3A_35 = arith.constant 400 : i32
      %mul3A_36 = arith.muli %add3A, %mul3A_35 : i32
      "tpu.region"() ({
        %run_scoped3A = tpu.sem_alloc : memref<!tpu.dma_semaphore, #tpu.memory_space<semaphore_mem>>
        %dma_start3A_384 = arith.constant 0 : i32
        %dma_start3A_385 = tpu.memref_slice %arg3[%mul3A_36, %dma_start3A_384] : memref<10000x128xf32, #tpu.memory_space<hbm>> -> memref<400x128xf32, #tpu.memory_space<hbm>>
        %dma_start3A_386 = arith.constant 0 : i32
        %dma_start3A_387 = tpu.memref_slice %arg3[%mul3A_36, %dma_start3A_386] : memref<10000x128xf32, #tpu.memory_space<hbm>> -> memref<400x128xf32, #tpu.memory_space<hbm>>
        tpu.enqueue_dma source(%dma_start3A_387 : memref<400x128xf32, #tpu.memory_space<hbm>>) target(%arg10 : memref<400x128xf32, #tpu.memory_space<vmem>>) target_semaphore(%run_scoped3A : memref<!tpu.dma_semaphore, #tpu.memory_space<semaphore_mem>>)
        %dma_wait3A_388 = arith.constant 0 : i32
        %dma_wait3A_389 = tpu.memref_slice %arg3[%mul3A_36, %dma_wait3A_388] : memref<10000x128xf32, #tpu.memory_space<hbm>> -> memref<400x128xf32, #tpu.memory_space<hbm>>
        %dma_wait3A_390 = arith.constant 0 : i32
        %dma_wait3A_391 = tpu.memref_slice %arg3[%mul3A_36, %dma_wait3A_390] : memref<10000x128xf32, #tpu.memory_space<hbm>> -> memref<400x128xf32, #tpu.memory_space<hbm>>
        tpu.wait_dma2 semaphore(%run_scoped3A : memref<!tpu.dma_semaphore, #tpu.memory_space<semaphore_mem>>) src(%dma_wait3A_391 : memref<400x128xf32, #tpu.memory_space<hbm>>) dst(%arg10 : memref<400x128xf32, #tpu.memory_space<vmem>>)
        tpu.yield
      }) : () -> ()
      %get3A = arith.constant 0 : index
      %get3A_37 = tpu.vector_load %arg11[%get3A] {strides = array<i32>} : memref<400xi32, #tpu.memory_space<vmem>>, vector<16xi32>,
      %dma_start3A = arith.constant 0 : i32
      %dma_start3A_38 = arith.constant 0 : i32
      %dma_start3A_39 = tpu.memref_slice %arg10[%dma_start3A, %dma_start3A_38] : memref<400x128xf32, #tpu.memory_space<vmem>> -> memref<16x128xf32, #tpu.memory_space<vmem>>
      %dma_start3A_40 = arith.constant 0 : i32
      %dma_start3A_41 = arith.constant 0 : i32
      %dma_start3A_42 = tpu.memref_slice %arg6[%dma_start3A_40, %dma_start3A_41] : memref<10000x128xf32, #tpu.memory_space<hbm>> -> memref<10000x128xf32, #tpu.memory_space<hbm>>
      tpu.enqueue_indirect_dma source(%dma_start3A_39 : memref<16x128xf32, #tpu.memory_space<vmem>>) target(%dma_start3A_42 : memref<10000x128xf32, #tpu.memory_space<hbm>>) offsets(%get3A_37 : vector<16xi32>) semaphore(%arg18 : memref<!tpu.dma_semaphore, #tpu.memory_space<semaphore_mem>>)
      %get3A_43 = arith.constant 16 : index
      %get3A_44 = tpu.vector_load %arg11[%get3A_43] {strides = array<i32>} : memref<400xi32, #tpu.memory_space<vmem>>, vector<16xi32>,
      %dma_start3A_45 = arith.constant 16 : i32
      %dma_start3A_46 = arith.constant 0 : i32
      %dma_start3A_47 = tpu.memref_slice %arg10[%dma_start3A_45, %dma_start3A_46] : memref<400x128xf32, #tpu.memory_space<vmem>> -> memref<16x128xf32, #tpu.memory_space<vmem>>
      %dma_start3A_48 = arith.constant 0 : i32
      %dma_start3A_49 = arith.constant 0 : i32
      %dma_start3A_50 = tpu.memref_slice %arg6[%dma_start3A_48, %dma_start3A_49] : memref<10000x128xf32, #tpu.memory_space<hbm>> -> memref<10000x128xf32, #tpu.memory_space<hbm>>
      tpu.enqueue_indirect_dma source(%dma_start3A_47 : memref<16x128xf32, #tpu.memory_space<vmem>>) target(%dma_start3A_50 : memref<10000x128xf32, #tpu.memory_space<hbm>>) offsets(%get3A_44 : vector<16xi32>) semaphore(%arg18 : memref<!tpu.dma_semaphore, #tpu.memory_space<semaphore_mem>>)
      %get3A_51 = arith.constant 32 : index
      %get3A_52 = tpu.vector_load %arg11[%get3A_51] {strides = array<i32>} : memref<400xi32, #tpu.memory_space<vmem>>, vector<16xi32>,
      %dma_start3A_53 = arith.constant 32 : i32
      %dma_start3A_54 = arith.constant 0 : i32
      %dma_start3A_55 = tpu.memref_slice %arg10[%dma_start3A_53, %dma_start3A_54] : memref<400x128xf32, #tpu.memory_space<vmem>> -> memref<16x128xf32, #tpu.memory_space<vmem>>
      %dma_start3A_56 = arith.constant 0 : i32
      %dma_start3A_57 = arith.constant 0 : i32
      %dma_start3A_58 = tpu.memref_slice %arg6[%dma_start3A_56, %dma_start3A_57] : memref<10000x128xf32, #tpu.memory_space<hbm>> -> memref<10000x128xf32, #tpu.memory_space<hbm>>
      tpu.enqueue_indirect_dma source(%dma_start3A_55 : memref<16x128xf32, #tpu.memory_space<vmem>>) target(%dma_start3A_58 : memref<10000x128xf32, #tpu.memory_space<hbm>>) offsets(%get3A_52 : vector<16xi32>) semaphore(%arg18 : memref<!tpu.dma_semaphore, #tpu.memory_space<semaphore_mem>>)
      %get3A_59 = arith.constant 48 : index
      %get3A_60 = tpu.vector_load %arg11[%get3A_59] {strides = array<i32>} : memref<400xi32, #tpu.memory_space<vmem>>, vector<16xi32>,
      %dma_start3A_61 = arith.constant 48 : i32
      %dma_start3A_62 = arith.constant 0 : i32
      %dma_start3A_63 = tpu.memref_slice %arg10[%dma_start3A_61, %dma_start3A_62] : memref<400x128xf32, #tpu.memory_space<vmem>> -> memref<16x128xf32, #tpu.memory_space<vmem>>
      %dma_start3A_64 = arith.constant 0 : i32
      %dma_start3A_65 = arith.constant 0 : i32
      %dma_start3A_66 = tpu.memref_slice %arg6[%dma_start3A_64, %dma_start3A_65] : memref<10000x128xf32, #tpu.memory_space<hbm>> -> memref<10000x128xf32, #tpu.memory_space<hbm>>
      tpu.enqueue_indirect_dma source(%dma_start3A_63 : memref<16x128xf32, #tpu.memory_space<vmem>>) target(%dma_start3A_66 : memref<10000x128xf32, #tpu.memory_space<hbm>>) offsets(%get3A_60 : vector<16xi32>) semaphore(%arg18 : memref<!tpu.dma_semaphore, #tpu.memory_space<semaphore_mem>>)
      %get3A_67 = arith.constant 64 : index
      %get3A_68 = tpu.vector_load %arg11[%get3A_67] {strides = array<i32>} : memref<400xi32, #tpu.memory_space<vmem>>, vector<16xi32>,
      %dma_start3A_69 = arith.constant 64 : i32
      %dma_start3A_70 = arith.constant 0 : i32
      %dma_start3A_71 = tpu.memref_slice %arg10[%dma_start3A_69, %dma_start3A_70] : memref<400x128xf32, #tpu.memory_space<vmem>> -> memref<16x128xf32, #tpu.memory_space<vmem>>
      %dma_start3A_72 = arith.constant 0 : i32
      %dma_start3A_73 = arith.constant 0 : i32
      %dma_start3A_74 = tpu.memref_slice %arg6[%dma_start3A_72, %dma_start3A_73] : memref<10000x128xf32, #tpu.memory_space<hbm>> -> memref<10000x128xf32, #tpu.memory_space<hbm>>
      tpu.enqueue_indirect_dma source(%dma_start3A_71 : memref<16x128xf32, #tpu.memory_space<vmem>>) target(%dma_start3A_74 : memref<10000x128xf32, #tpu.memory_space<hbm>>) offsets(%get3A_68 : vector<16xi32>) semaphore(%arg18 : memref<!tpu.dma_semaphore, #tpu.memory_space<semaphore_mem>>)
      %get3A_75 = arith.constant 80 : index
      %get3A_76 = tpu.vector_load %arg11[%get3A_75] {strides = array<i32>} : memref<400xi32, #tpu.memory_space<vmem>>, vector<16xi32>,
      %dma_start3A_77 = arith.constant 80 : i32
      %dma_start3A_78 = arith.constant 0 : i32
      %dma_start3A_79 = tpu.memref_slice %arg10[%dma_start3A_77, %dma_start3A_78] : memref<400x128xf32, #tpu.memory_space<vmem>> -> memref<16x128xf32, #tpu.memory_space<vmem>>
      %dma_start3A_80 = arith.constant 0 : i32
      %dma_start3A_81 = arith.constant 0 : i32
      %dma_start3A_82 = tpu.memref_slice %arg6[%dma_start3A_80, %dma_start3A_81] : memref<10000x128xf32, #tpu.memory_space<hbm>> -> memref<10000x128xf32, #tpu.memory_space<hbm>>
      tpu.enqueue_indirect_dma source(%dma_start3A_79 : memref<16x128xf32, #tpu.memory_space<vmem>>) target(%dma_start3A_82 : memref<10000x128xf32, #tpu.memory_space<hbm>>) offsets(%get3A_76 : vector<16xi32>) semaphore(%arg18 : memref<!tpu.dma_semaphore, #tpu.memory_space<semaphore_mem>>)
      %get3A_83 = arith.constant 96 : index
      %get3A_84 = tpu.vector_load %arg11[%get3A_83] {strides = array<i32>} : memref<400xi32, #tpu.memory_space<vmem>>, vector<16xi32>,
      %dma_start3A_85 = arith.constant 96 : i32
      %dma_start3A_86 = arith.constant 0 : i32
      %dma_start3A_87 = tpu.memref_slice %arg10[%dma_start3A_85, %dma_start3A_86] : memref<400x128xf32, #tpu.memory_space<vmem>> -> memref<16x128xf32, #tpu.memory_space<vmem>>
      %dma_start3A_88 = arith.constant 0 : i32
      %dma_start3A_89 = arith.constant 0 : i32
      %dma_start3A_90 = tpu.memref_slice %arg6[%dma_start3A_88, %dma_start3A_89] : memref<10000x128xf32, #tpu.memory_space<hbm>> -> memref<10000x128xf32, #tpu.memory_space<hbm>>
      tpu.enqueue_indirect_dma source(%dma_start3A_87 : memref<16x128xf32, #tpu.memory_space<vmem>>) target(%dma_start3A_90 : memref<10000x128xf32, #tpu.memory_space<hbm>>) offsets(%get3A_84 : vector<16xi32>) semaphore(%arg18 : memref<!tpu.dma_semaphore, #tpu.memory_space<semaphore_mem>>)
      %get3A_91 = arith.constant 112 : index
      %get3A_92 = tpu.vector_load %arg11[%get3A_91] {strides = array<i32>} : memref<400xi32, #tpu.memory_space<vmem>>, vector<16xi32>,
      %dma_start3A_93 = arith.constant 112 : i32
      %dma_start3A_94 = arith.constant 0 : i32
      %dma_start3A_95 = tpu.memref_slice %arg10[%dma_start3A_93, %dma_start3A_94] : memref<400x128xf32, #tpu.memory_space<vmem>> -> memref<16x128xf32, #tpu.memory_space<vmem>>
      %dma_start3A_96 = arith.constant 0 : i32
      %dma_start3A_97 = arith.constant 0 : i32
      %dma_start3A_98 = tpu.memref_slice %arg6[%dma_start3A_96, %dma_start3A_97] : memref<10000x128xf32, #tpu.memory_space<hbm>> -> memref<10000x128xf32, #tpu.memory_space<hbm>>
      tpu.enqueue_indirect_dma source(%dma_start3A_95 : memref<16x128xf32, #tpu.memory_space<vmem>>) target(%dma_start3A_98 : memref<10000x128xf32, #tpu.memory_space<hbm>>) offsets(%get3A_92 : vector<16xi32>) semaphore(%arg18 : memref<!tpu.dma_semaphore, #tpu.memory_space<semaphore_mem>>)
      %get3A_99 = arith.constant 128 : index
      %get3A_100 = tpu.vector_load %arg11[%get3A_99] {strides = array<i32>} : memref<400xi32, #tpu.memory_space<vmem>>, vector<16xi32>,
      %dma_start3A_101 = arith.constant 128 : i32
      %dma_start3A_102 = arith.constant 0 : i32
      %dma_start3A_103 = tpu.memref_slice %arg10[%dma_start3A_101, %dma_start3A_102] : memref<400x128xf32, #tpu.memory_space<vmem>> -> memref<16x128xf32, #tpu.memory_space<vmem>>
      %dma_start3A_104 = arith.constant 0 : i32
      %dma_start3A_105 = arith.constant 0 : i32
      %dma_start3A_106 = tpu.memref_slice %arg6[%dma_start3A_104, %dma_start3A_105] : memref<10000x128xf32, #tpu.memory_space<hbm>> -> memref<10000x128xf32, #tpu.memory_space<hbm>>
      tpu.enqueue_indirect_dma source(%dma_start3A_103 : memref<16x128xf32, #tpu.memory_space<vmem>>) target(%dma_start3A_106 : memref<10000x128xf32, #tpu.memory_space<hbm>>) offsets(%get3A_100 : vector<16xi32>) semaphore(%arg18 : memref<!tpu.dma_semaphore, #tpu.memory_space<semaphore_mem>>)
      %get3A_107 = arith.constant 144 : index
      %get3A_108 = tpu.vector_load %arg11[%get3A_107] {strides = array<i32>} : memref<400xi32, #tpu.memory_space<vmem>>, vector<16xi32>,
      %dma_start3A_109 = arith.constant 144 : i32
      %dma_start3A_110 = arith.constant 0 : i32
      %dma_start3A_111 = tpu.memref_slice %arg10[%dma_start3A_109, %dma_start3A_110] : memref<400x128xf32, #tpu.memory_space<vmem>> -> memref<16x128xf32, #tpu.memory_space<vmem>>
      %dma_start3A_112 = arith.constant 0 : i32
      %dma_start3A_113 = arith.constant 0 : i32
      %dma_start3A_114 = tpu.memref_slice %arg6[%dma_start3A_112, %dma_start3A_113] : memref<10000x128xf32, #tpu.memory_space<hbm>> -> memref<10000x128xf32, #tpu.memory_space<hbm>>
      tpu.enqueue_indirect_dma source(%dma_start3A_111 : memref<16x128xf32, #tpu.memory_space<vmem>>) target(%dma_start3A_114 : memref<10000x128xf32, #tpu.memory_space<hbm>>) offsets(%get3A_108 : vector<16xi32>) semaphore(%arg18 : memref<!tpu.dma_semaphore, #tpu.memory_space<semaphore_mem>>)
      %get3A_115 = arith.constant 160 : index
      %get3A_116 = tpu.vector_load %arg11[%get3A_115] {strides = array<i32>} : memref<400xi32, #tpu.memory_space<vmem>>, vector<16xi32>,
      %dma_start3A_117 = arith.constant 160 : i32
      %dma_start3A_118 = arith.constant 0 : i32
      %dma_start3A_119 = tpu.memref_slice %arg10[%dma_start3A_117, %dma_start3A_118] : memref<400x128xf32, #tpu.memory_space<vmem>> -> memref<16x128xf32, #tpu.memory_space<vmem>>
      %dma_start3A_120 = arith.constant 0 : i32
      %dma_start3A_121 = arith.constant 0 : i32
      %dma_start3A_122 = tpu.memref_slice %arg6[%dma_start3A_120, %dma_start3A_121] : memref<10000x128xf32, #tpu.memory_space<hbm>> -> memref<10000x128xf32, #tpu.memory_space<hbm>>
      tpu.enqueue_indirect_dma source(%dma_start3A_119 : memref<16x128xf32, #tpu.memory_space<vmem>>) target(%dma_start3A_122 : memref<10000x128xf32, #tpu.memory_space<hbm>>) offsets(%get3A_116 : vector<16xi32>) semaphore(%arg18 : memref<!tpu.dma_semaphore, #tpu.memory_space<semaphore_mem>>)
      %get3A_123 = arith.constant 176 : index
      %get3A_124 = tpu.vector_load %arg11[%get3A_123] {strides = array<i32>} : memref<400xi32, #tpu.memory_space<vmem>>, vector<16xi32>,
      %dma_start3A_125 = arith.constant 176 : i32
      %dma_start3A_126 = arith.constant 0 : i32
      %dma_start3A_127 = tpu.memref_slice %arg10[%dma_start3A_125, %dma_start3A_126] : memref<400x128xf32, #tpu.memory_space<vmem>> -> memref<16x128xf32, #tpu.memory_space<vmem>>
      %dma_start3A_128 = arith.constant 0 : i32
      %dma_start3A_129 = arith.constant 0 : i32
      %dma_start3A_130 = tpu.memref_slice %arg6[%dma_start3A_128, %dma_start3A_129] : memref<10000x128xf32, #tpu.memory_space<hbm>> -> memref<10000x128xf32, #tpu.memory_space<hbm>>
      tpu.enqueue_indirect_dma source(%dma_start3A_127 : memref<16x128xf32, #tpu.memory_space<vmem>>) target(%dma_start3A_130 : memref<10000x128xf32, #tpu.memory_space<hbm>>) offsets(%get3A_124 : vector<16xi32>) semaphore(%arg18 : memref<!tpu.dma_semaphore, #tpu.memory_space<semaphore_mem>>)
      %get3A_131 = arith.constant 192 : index
      %get3A_132 = tpu.vector_load %arg11[%get3A_131] {strides = array<i32>} : memref<400xi32, #tpu.memory_space<vmem>>, vector<16xi32>,
      %dma_start3A_133 = arith.constant 192 : i32
      %dma_start3A_134 = arith.constant 0 : i32
      %dma_start3A_135 = tpu.memref_slice %arg10[%dma_start3A_133, %dma_start3A_134] : memref<400x128xf32, #tpu.memory_space<vmem>> -> memref<16x128xf32, #tpu.memory_space<vmem>>
      %dma_start3A_136 = arith.constant 0 : i32
      %dma_start3A_137 = arith.constant 0 : i32
      %dma_start3A_138 = tpu.memref_slice %arg6[%dma_start3A_136, %dma_start3A_137] : memref<10000x128xf32, #tpu.memory_space<hbm>> -> memref<10000x128xf32, #tpu.memory_space<hbm>>
      tpu.enqueue_indirect_dma source(%dma_start3A_135 : memref<16x128xf32, #tpu.memory_space<vmem>>) target(%dma_start3A_138 : memref<10000x128xf32, #tpu.memory_space<hbm>>) offsets(%get3A_132 : vector<16xi32>) semaphore(%arg18 : memref<!tpu.dma_semaphore, #tpu.memory_space<semaphore_mem>>)
      %get3A_139 = arith.constant 208 : index
      %get3A_140 = tpu.vector_load %arg11[%get3A_139] {strides = array<i32>} : memref<400xi32, #tpu.memory_space<vmem>>, vector<16xi32>,
      %dma_start3A_141 = arith.constant 208 : i32
      %dma_start3A_142 = arith.constant 0 : i32
      %dma_start3A_143 = tpu.memref_slice %arg10[%dma_start3A_141, %dma_start3A_142] : memref<400x128xf32, #tpu.memory_space<vmem>> -> memref<16x128xf32, #tpu.memory_space<vmem>>
      %dma_start3A_144 = arith.constant 0 : i32
      %dma_start3A_145 = arith.constant 0 : i32
      %dma_start3A_146 = tpu.memref_slice %arg6[%dma_start3A_144, %dma_start3A_145] : memref<10000x128xf32, #tpu.memory_space<hbm>> -> memref<10000x128xf32, #tpu.memory_space<hbm>>
      tpu.enqueue_indirect_dma source(%dma_start3A_143 : memref<16x128xf32, #tpu.memory_space<vmem>>) target(%dma_start3A_146 : memref<10000x128xf32, #tpu.memory_space<hbm>>) offsets(%get3A_140 : vector<16xi32>) semaphore(%arg18 : memref<!tpu.dma_semaphore, #tpu.memory_space<semaphore_mem>>)
      %get3A_147 = arith.constant 224 : index
      %get3A_148 = tpu.vector_load %arg11[%get3A_147] {strides = array<i32>} : memref<400xi32, #tpu.memory_space<vmem>>, vector<16xi32>,
      %dma_start3A_149 = arith.constant 224 : i32
      %dma_start3A_150 = arith.constant 0 : i32
      %dma_start3A_151 = tpu.memref_slice %arg10[%dma_start3A_149, %dma_start3A_150] : memref<400x128xf32, #tpu.memory_space<vmem>> -> memref<16x128xf32, #tpu.memory_space<vmem>>
      %dma_start3A_152 = arith.constant 0 : i32
      %dma_start3A_153 = arith.constant 0 : i32
      %dma_start3A_154 = tpu.memref_slice %arg6[%dma_start3A_152, %dma_start3A_153] : memref<10000x128xf32, #tpu.memory_space<hbm>> -> memref<10000x128xf32, #tpu.memory_space<hbm>>
      tpu.enqueue_indirect_dma source(%dma_start3A_151 : memref<16x128xf32, #tpu.memory_space<vmem>>) target(%dma_start3A_154 : memref<10000x128xf32, #tpu.memory_space<hbm>>) offsets(%get3A_148 : vector<16xi32>) semaphore(%arg18 : memref<!tpu.dma_semaphore, #tpu.memory_space<semaphore_mem>>)
      %get3A_155 = arith.constant 240 : index
      %get3A_156 = tpu.vector_load %arg11[%get3A_155] {strides = array<i32>} : memref<400xi32, #tpu.memory_space<vmem>>, vector<16xi32>,
      %dma_start3A_157 = arith.constant 240 : i32
      %dma_start3A_158 = arith.constant 0 : i32
      %dma_start3A_159 = tpu.memref_slice %arg10[%dma_start3A_157, %dma_start3A_158] : memref<400x128xf32, #tpu.memory_space<vmem>> -> memref<16x128xf32, #tpu.memory_space<vmem>>
      %dma_start3A_160 = arith.constant 0 : i32
      %dma_start3A_161 = arith.constant 0 : i32
      %dma_start3A_162 = tpu.memref_slice %arg6[%dma_start3A_160, %dma_start3A_161] : memref<10000x128xf32, #tpu.memory_space<hbm>> -> memref<10000x128xf32, #tpu.memory_space<hbm>>
      tpu.enqueue_indirect_dma source(%dma_start3A_159 : memref<16x128xf32, #tpu.memory_space<vmem>>) target(%dma_start3A_162 : memref<10000x128xf32, #tpu.memory_space<hbm>>) offsets(%get3A_156 : vector<16xi32>) semaphore(%arg18 : memref<!tpu.dma_semaphore, #tpu.memory_space<semaphore_mem>>)
      %get3A_163 = arith.constant 256 : index
      %get3A_164 = tpu.vector_load %arg11[%get3A_163] {strides = array<i32>} : memref<400xi32, #tpu.memory_space<vmem>>, vector<16xi32>,
      %dma_start3A_165 = arith.constant 256 : i32
      %dma_start3A_166 = arith.constant 0 : i32
      %dma_start3A_167 = tpu.memref_slice %arg10[%dma_start3A_165, %dma_start3A_166] : memref<400x128xf32, #tpu.memory_space<vmem>> -> memref<16x128xf32, #tpu.memory_space<vmem>>
      %dma_start3A_168 = arith.constant 0 : i32
      %dma_start3A_169 = arith.constant 0 : i32
      %dma_start3A_170 = tpu.memref_slice %arg6[%dma_start3A_168, %dma_start3A_169] : memref<10000x128xf32, #tpu.memory_space<hbm>> -> memref<10000x128xf32, #tpu.memory_space<hbm>>
      tpu.enqueue_indirect_dma source(%dma_start3A_167 : memref<16x128xf32, #tpu.memory_space<vmem>>) target(%dma_start3A_170 : memref<10000x128xf32, #tpu.memory_space<hbm>>) offsets(%get3A_164 : vector<16xi32>) semaphore(%arg18 : memref<!tpu.dma_semaphore, #tpu.memory_space<semaphore_mem>>)
      %get3A_171 = arith.constant 272 : index
      %get3A_172 = tpu.vector_load %arg11[%get3A_171] {strides = array<i32>} : memref<400xi32, #tpu.memory_space<vmem>>, vector<16xi32>,
      %dma_start3A_173 = arith.constant 272 : i32
      %dma_start3A_174 = arith.constant 0 : i32
      %dma_start3A_175 = tpu.memref_slice %arg10[%dma_start3A_173, %dma_start3A_174] : memref<400x128xf32, #tpu.memory_space<vmem>> -> memref<16x128xf32, #tpu.memory_space<vmem>>
      %dma_start3A_176 = arith.constant 0 : i32
      %dma_start3A_177 = arith.constant 0 : i32
      %dma_start3A_178 = tpu.memref_slice %arg6[%dma_start3A_176, %dma_start3A_177] : memref<10000x128xf32, #tpu.memory_space<hbm>> -> memref<10000x128xf32, #tpu.memory_space<hbm>>
      tpu.enqueue_indirect_dma source(%dma_start3A_175 : memref<16x128xf32, #tpu.memory_space<vmem>>) target(%dma_start3A_178 : memref<10000x128xf32, #tpu.memory_space<hbm>>) offsets(%get3A_172 : vector<16xi32>) semaphore(%arg18 : memref<!tpu.dma_semaphore, #tpu.memory_space<semaphore_mem>>)
      %get3A_179 = arith.constant 288 : index
      %get3A_180 = tpu.vector_load %arg11[%get3A_179] {strides = array<i32>} : memref<400xi32, #tpu.memory_space<vmem>>, vector<16xi32>,
      %dma_start3A_181 = arith.constant 288 : i32
      %dma_start3A_182 = arith.constant 0 : i32
      %dma_start3A_183 = tpu.memref_slice %arg10[%dma_start3A_181, %dma_start3A_182] : memref<400x128xf32, #tpu.memory_space<vmem>> -> memref<16x128xf32, #tpu.memory_space<vmem>>
      %dma_start3A_184 = arith.constant 0 : i32
      %dma_start3A_185 = arith.constant 0 : i32
      %dma_start3A_186 = tpu.memref_slice %arg6[%dma_start3A_184, %dma_start3A_185] : memref<10000x128xf32, #tpu.memory_space<hbm>> -> memref<10000x128xf32, #tpu.memory_space<hbm>>
      tpu.enqueue_indirect_dma source(%dma_start3A_183 : memref<16x128xf32, #tpu.memory_space<vmem>>) target(%dma_start3A_186 : memref<10000x128xf32, #tpu.memory_space<hbm>>) offsets(%get3A_180 : vector<16xi32>) semaphore(%arg18 : memref<!tpu.dma_semaphore, #tpu.memory_space<semaphore_mem>>)
      %get3A_187 = arith.constant 304 : index
      %get3A_188 = tpu.vector_load %arg11[%get3A_187] {strides = array<i32>} : memref<400xi32, #tpu.memory_space<vmem>>, vector<16xi32>,
      %dma_start3A_189 = arith.constant 304 : i32
      %dma_start3A_190 = arith.constant 0 : i32
      %dma_start3A_191 = tpu.memref_slice %arg10[%dma_start3A_189, %dma_start3A_190] : memref<400x128xf32, #tpu.memory_space<vmem>> -> memref<16x128xf32, #tpu.memory_space<vmem>>
      %dma_start3A_192 = arith.constant 0 : i32
      %dma_start3A_193 = arith.constant 0 : i32
      %dma_start3A_194 = tpu.memref_slice %arg6[%dma_start3A_192, %dma_start3A_193] : memref<10000x128xf32, #tpu.memory_space<hbm>> -> memref<10000x128xf32, #tpu.memory_space<hbm>>
      tpu.enqueue_indirect_dma source(%dma_start3A_191 : memref<16x128xf32, #tpu.memory_space<vmem>>) target(%dma_start3A_194 : memref<10000x128xf32, #tpu.memory_space<hbm>>) offsets(%get3A_188 : vector<16xi32>) semaphore(%arg18 : memref<!tpu.dma_semaphore, #tpu.memory_space<semaphore_mem>>)
      %get3A_195 = arith.constant 320 : index
      %get3A_196 = tpu.vector_load %arg11[%get3A_195] {strides = array<i32>} : memref<400xi32, #tpu.memory_space<vmem>>, vector<16xi32>,
      %dma_start3A_197 = arith.constant 320 : i32
      %dma_start3A_198 = arith.constant 0 : i32
      %dma_start3A_199 = tpu.memref_slice %arg10[%dma_start3A_197, %dma_start3A_198] : memref<400x128xf32, #tpu.memory_space<vmem>> -> memref<16x128xf32, #tpu.memory_space<vmem>>
      %dma_start3A_200 = arith.constant 0 : i32
      %dma_start3A_201 = arith.constant 0 : i32
      %dma_start3A_202 = tpu.memref_slice %arg6[%dma_start3A_200, %dma_start3A_201] : memref<10000x128xf32, #tpu.memory_space<hbm>> -> memref<10000x128xf32, #tpu.memory_space<hbm>>
      tpu.enqueue_indirect_dma source(%dma_start3A_199 : memref<16x128xf32, #tpu.memory_space<vmem>>) target(%dma_start3A_202 : memref<10000x128xf32, #tpu.memory_space<hbm>>) offsets(%get3A_196 : vector<16xi32>) semaphore(%arg18 : memref<!tpu.dma_semaphore, #tpu.memory_space<semaphore_mem>>)
      %get3A_203 = arith.constant 336 : index
      %get3A_204 = tpu.vector_load %arg11[%get3A_203] {strides = array<i32>} : memref<400xi32, #tpu.memory_space<vmem>>, vector<16xi32>,
      %dma_start3A_205 = arith.constant 336 : i32
      %dma_start3A_206 = arith.constant 0 : i32
      %dma_start3A_207 = tpu.memref_slice %arg10[%dma_start3A_205, %dma_start3A_206] : memref<400x128xf32, #tpu.memory_space<vmem>> -> memref<16x128xf32, #tpu.memory_space<vmem>>
      %dma_start3A_208 = arith.constant 0 : i32
      %dma_start3A_209 = arith.constant 0 : i32
      %dma_start3A_210 = tpu.memref_slice %arg6[%dma_start3A_208, %dma_start3A_209] : memref<10000x128xf32, #tpu.memory_space<hbm>> -> memref<10000x128xf32, #tpu.memory_space<hbm>>
      tpu.enqueue_indirect_dma source(%dma_start3A_207 : memref<16x128xf32, #tpu.memory_space<vmem>>) target(%dma_start3A_210 : memref<10000x128xf32, #tpu.memory_space<hbm>>) offsets(%get3A_204 : vector<16xi32>) semaphore(%arg18 : memref<!tpu.dma_semaphore, #tpu.memory_space<semaphore_mem>>)
      %get3A_211 = arith.constant 352 : index
      %get3A_212 = tpu.vector_load %arg11[%get3A_211] {strides = array<i32>} : memref<400xi32, #tpu.memory_space<vmem>>, vector<16xi32>,
      %dma_start3A_213 = arith.constant 352 : i32
      %dma_start3A_214 = arith.constant 0 : i32
      %dma_start3A_215 = tpu.memref_slice %arg10[%dma_start3A_213, %dma_start3A_214] : memref<400x128xf32, #tpu.memory_space<vmem>> -> memref<16x128xf32, #tpu.memory_space<vmem>>
      %dma_start3A_216 = arith.constant 0 : i32
      %dma_start3A_217 = arith.constant 0 : i32
      %dma_start3A_218 = tpu.memref_slice %arg6[%dma_start3A_216, %dma_start3A_217] : memref<10000x128xf32, #tpu.memory_space<hbm>> -> memref<10000x128xf32, #tpu.memory_space<hbm>>
      tpu.enqueue_indirect_dma source(%dma_start3A_215 : memref<16x128xf32, #tpu.memory_space<vmem>>) target(%dma_start3A_218 : memref<10000x128xf32, #tpu.memory_space<hbm>>) offsets(%get3A_212 : vector<16xi32>) semaphore(%arg18 : memref<!tpu.dma_semaphore, #tpu.memory_space<semaphore_mem>>)
      %get3A_219 = arith.constant 368 : index
      %get3A_220 = tpu.vector_load %arg11[%get3A_219] {strides = array<i32>} : memref<400xi32, #tpu.memory_space<vmem>>, vector<16xi32>,
      %dma_start3A_221 = arith.constant 368 : i32
      %dma_start3A_222 = arith.constant 0 : i32
      %dma_start3A_223 = tpu.memref_slice %arg10[%dma_start3A_221, %dma_start3A_222] : memref<400x128xf32, #tpu.memory_space<vmem>> -> memref<16x128xf32, #tpu.memory_space<vmem>>
      %dma_start3A_224 = arith.constant 0 : i32
      %dma_start3A_225 = arith.constant 0 : i32
      %dma_start3A_226 = tpu.memref_slice %arg6[%dma_start3A_224, %dma_start3A_225] : memref<10000x128xf32, #tpu.memory_space<hbm>> -> memref<10000x128xf32, #tpu.memory_space<hbm>>
      tpu.enqueue_indirect_dma source(%dma_start3A_223 : memref<16x128xf32, #tpu.memory_space<vmem>>) target(%dma_start3A_226 : memref<10000x128xf32, #tpu.memory_space<hbm>>) offsets(%get3A_220 : vector<16xi32>) semaphore(%arg18 : memref<!tpu.dma_semaphore, #tpu.memory_space<semaphore_mem>>)
      %get3A_227 = arith.constant 384 : index
      %get3A_228 = tpu.vector_load %arg11[%get3A_227] {strides = array<i32>} : memref<400xi32, #tpu.memory_space<vmem>>, vector<16xi32>,
      %dma_start3A_229 = arith.constant 384 : i32
      %dma_start3A_230 = arith.constant 0 : i32
      %dma_start3A_231 = tpu.memref_slice %arg10[%dma_start3A_229, %dma_start3A_230] : memref<400x128xf32, #tpu.memory_space<vmem>> -> memref<16x128xf32, #tpu.memory_space<vmem>>
      %dma_start3A_232 = arith.constant 0 : i32
      %dma_start3A_233 = arith.constant 0 : i32
      %dma_start3A_234 = tpu.memref_slice %arg6[%dma_start3A_232, %dma_start3A_233] : memref<10000x128xf32, #tpu.memory_space<hbm>> -> memref<10000x128xf32, #tpu.memory_space<hbm>>
      tpu.enqueue_indirect_dma source(%dma_start3A_231 : memref<16x128xf32, #tpu.memory_space<vmem>>) target(%dma_start3A_234 : memref<10000x128xf32, #tpu.memory_space<hbm>>) offsets(%get3A_228 : vector<16xi32>) semaphore(%arg18 : memref<!tpu.dma_semaphore, #tpu.memory_space<semaphore_mem>>)
      %dma_wait3A = arith.constant 0 : i32
      %dma_wait3A_235 = arith.constant 0 : i32
      %dma_wait3A_236 = tpu.memref_slice %arg10[%dma_wait3A, %dma_wait3A_235] : memref<400x128xf32, #tpu.memory_space<vmem>> -> memref<16x128xf32, #tpu.memory_space<vmem>>
      %dma_wait3A_237 = arith.constant 0 : i32
      %dma_wait3A_238 = arith.constant 0 : i32
      %dma_wait3A_239 = tpu.memref_slice %arg6[%dma_wait3A_237, %dma_wait3A_238] : memref<10000x128xf32, #tpu.memory_space<hbm>> -> memref<10000x128xf32, #tpu.memory_space<hbm>>
      tpu.wait_indirect_dma semaphore(%arg18 : memref<!tpu.dma_semaphore, #tpu.memory_space<semaphore_mem>>) src(%dma_wait3A_236 : memref<16x128xf32, #tpu.memory_space<vmem>>) dst(%dma_wait3A_239 : memref<10000x128xf32, #tpu.memory_space<hbm>>)
      %dma_wait3A_240 = arith.constant 16 : i32
      %dma_wait3A_241 = arith.constant 0 : i32
      %dma_wait3A_242 = tpu.memref_slice %arg10[%dma_wait3A_240, %dma_wait3A_241] : memref<400x128xf32, #tpu.memory_space<vmem>> -> memref<16x128xf32, #tpu.memory_space<vmem>>
      %dma_wait3A_243 = arith.constant 0 : i32
      %dma_wait3A_244 = arith.constant 0 : i32
      %dma_wait3A_245 = tpu.memref_slice %arg6[%dma_wait3A_243, %dma_wait3A_244] : memref<10000x128xf32, #tpu.memory_space<hbm>> -> memref<10000x128xf32, #tpu.memory_space<hbm>>
      tpu.wait_indirect_dma semaphore(%arg18 : memref<!tpu.dma_semaphore, #tpu.memory_space<semaphore_mem>>) src(%dma_wait3A_242 : memref<16x128xf32, #tpu.memory_space<vmem>>) dst(%dma_wait3A_245 : memref<10000x128xf32, #tpu.memory_space<hbm>>)
      %dma_wait3A_246 = arith.constant 32 : i32
      %dma_wait3A_247 = arith.constant 0 : i32
      %dma_wait3A_248 = tpu.memref_slice %arg10[%dma_wait3A_246, %dma_wait3A_247] : memref<400x128xf32, #tpu.memory_space<vmem>> -> memref<16x128xf32, #tpu.memory_space<vmem>>
      %dma_wait3A_249 = arith.constant 0 : i32
      %dma_wait3A_250 = arith.constant 0 : i32
      %dma_wait3A_251 = tpu.memref_slice %arg6[%dma_wait3A_249, %dma_wait3A_250] : memref<10000x128xf32, #tpu.memory_space<hbm>> -> memref<10000x128xf32, #tpu.memory_space<hbm>>
      tpu.wait_indirect_dma semaphore(%arg18 : memref<!tpu.dma_semaphore, #tpu.memory_space<semaphore_mem>>) src(%dma_wait3A_248 : memref<16x128xf32, #tpu.memory_space<vmem>>) dst(%dma_wait3A_251 : memref<10000x128xf32, #tpu.memory_space<hbm>>)
      %dma_wait3A_252 = arith.constant 48 : i32
      %dma_wait3A_253 = arith.constant 0 : i32
      %dma_wait3A_254 = tpu.memref_slice %arg10[%dma_wait3A_252, %dma_wait3A_253] : memref<400x128xf32, #tpu.memory_space<vmem>> -> memref<16x128xf32, #tpu.memory_space<vmem>>
      %dma_wait3A_255 = arith.constant 0 : i32
      %dma_wait3A_256 = arith.constant 0 : i32
      %dma_wait3A_257 = tpu.memref_slice %arg6[%dma_wait3A_255, %dma_wait3A_256] : memref<10000x128xf32, #tpu.memory_space<hbm>> -> memref<10000x128xf32, #tpu.memory_space<hbm>>
      tpu.wait_indirect_dma semaphore(%arg18 : memref<!tpu.dma_semaphore, #tpu.memory_space<semaphore_mem>>) src(%dma_wait3A_254 : memref<16x128xf32, #tpu.memory_space<vmem>>) dst(%dma_wait3A_257 : memref<10000x128xf32, #tpu.memory_space<hbm>>)
      %dma_wait3A_258 = arith.constant 64 : i32
      %dma_wait3A_259 = arith.constant 0 : i32
      %dma_wait3A_260 = tpu.memref_slice %arg10[%dma_wait3A_258, %dma_wait3A_259] : memref<400x128xf32, #tpu.memory_space<vmem>> -> memref<16x128xf32, #tpu.memory_space<vmem>>
      %dma_wait3A_261 = arith.constant 0 : i32
      %dma_wait3A_262 = arith.constant 0 : i32
      %dma_wait3A_263 = tpu.memref_slice %arg6[%dma_wait3A_261, %dma_wait3A_262] : memref<10000x128xf32, #tpu.memory_space<hbm>> -> memref<10000x128xf32, #tpu.memory_space<hbm>>
      tpu.wait_indirect_dma semaphore(%arg18 : memref<!tpu.dma_semaphore, #tpu.memory_space<semaphore_mem>>) src(%dma_wait3A_260 : memref<16x128xf32, #tpu.memory_space<vmem>>) dst(%dma_wait3A_263 : memref<10000x128xf32, #tpu.memory_space<hbm>>)
      %dma_wait3A_264 = arith.constant 80 : i32
      %dma_wait3A_265 = arith.constant 0 : i32
      %dma_wait3A_266 = tpu.memref_slice %arg10[%dma_wait3A_264, %dma_wait3A_265] : memref<400x128xf32, #tpu.memory_space<vmem>> -> memref<16x128xf32, #tpu.memory_space<vmem>>
      %dma_wait3A_267 = arith.constant 0 : i32
      %dma_wait3A_268 = arith.constant 0 : i32
      %dma_wait3A_269 = tpu.memref_slice %arg6[%dma_wait3A_267, %dma_wait3A_268] : memref<10000x128xf32, #tpu.memory_space<hbm>> -> memref<10000x128xf32, #tpu.memory_space<hbm>>
      tpu.wait_indirect_dma semaphore(%arg18 : memref<!tpu.dma_semaphore, #tpu.memory_space<semaphore_mem>>) src(%dma_wait3A_266 : memref<16x128xf32, #tpu.memory_space<vmem>>) dst(%dma_wait3A_269 : memref<10000x128xf32, #tpu.memory_space<hbm>>)
      %dma_wait3A_270 = arith.constant 96 : i32
      %dma_wait3A_271 = arith.constant 0 : i32
      %dma_wait3A_272 = tpu.memref_slice %arg10[%dma_wait3A_270, %dma_wait3A_271] : memref<400x128xf32, #tpu.memory_space<vmem>> -> memref<16x128xf32, #tpu.memory_space<vmem>>
      %dma_wait3A_273 = arith.constant 0 : i32
      %dma_wait3A_274 = arith.constant 0 : i32
      %dma_wait3A_275 = tpu.memref_slice %arg6[%dma_wait3A_273, %dma_wait3A_274] : memref<10000x128xf32, #tpu.memory_space<hbm>> -> memref<10000x128xf32, #tpu.memory_space<hbm>>
      tpu.wait_indirect_dma semaphore(%arg18 : memref<!tpu.dma_semaphore, #tpu.memory_space<semaphore_mem>>) src(%dma_wait3A_272 : memref<16x128xf32, #tpu.memory_space<vmem>>) dst(%dma_wait3A_275 : memref<10000x128xf32, #tpu.memory_space<hbm>>)
      %dma_wait3A_276 = arith.constant 112 : i32
      %dma_wait3A_277 = arith.constant 0 : i32
      %dma_wait3A_278 = tpu.memref_slice %arg10[%dma_wait3A_276, %dma_wait3A_277] : memref<400x128xf32, #tpu.memory_space<vmem>> -> memref<16x128xf32, #tpu.memory_space<vmem>>
      %dma_wait3A_279 = arith.constant 0 : i32
      %dma_wait3A_280 = arith.constant 0 : i32
      %dma_wait3A_281 = tpu.memref_slice %arg6[%dma_wait3A_279, %dma_wait3A_280] : memref<10000x128xf32, #tpu.memory_space<hbm>> -> memref<10000x128xf32, #tpu.memory_space<hbm>>
      tpu.wait_indirect_dma semaphore(%arg18 : memref<!tpu.dma_semaphore, #tpu.memory_space<semaphore_mem>>) src(%dma_wait3A_278 : memref<16x128xf32, #tpu.memory_space<vmem>>) dst(%dma_wait3A_281 : memref<10000x128xf32, #tpu.memory_space<hbm>>)
      %dma_wait3A_282 = arith.constant 128 : i32
      %dma_wait3A_283 = arith.constant 0 : i32
      %dma_wait3A_284 = tpu.memref_slice %arg10[%dma_wait3A_282, %dma_wait3A_283] : memref<400x128xf32, #tpu.memory_space<vmem>> -> memref<16x128xf32, #tpu.memory_space<vmem>>
      %dma_wait3A_285 = arith.constant 0 : i32
      %dma_wait3A_286 = arith.constant 0 : i32
      %dma_wait3A_287 = tpu.memref_slice %arg6[%dma_wait3A_285, %dma_wait3A_286] : memref<10000x128xf32, #tpu.memory_space<hbm>> -> memref<10000x128xf32, #tpu.memory_space<hbm>>
      tpu.wait_indirect_dma semaphore(%arg18 : memref<!tpu.dma_semaphore, #tpu.memory_space<semaphore_mem>>) src(%dma_wait3A_284 : memref<16x128xf32, #tpu.memory_space<vmem>>) dst(%dma_wait3A_287 : memref<10000x128xf32, #tpu.memory_space<hbm>>)
      %dma_wait3A_288 = arith.constant 144 : i32
      %dma_wait3A_289 = arith.constant 0 : i32
      %dma_wait3A_290 = tpu.memref_slice %arg10[%dma_wait3A_288, %dma_wait3A_289] : memref<400x128xf32, #tpu.memory_space<vmem>> -> memref<16x128xf32, #tpu.memory_space<vmem>>
      %dma_wait3A_291 = arith.constant 0 : i32
      %dma_wait3A_292 = arith.constant 0 : i32
      %dma_wait3A_293 = tpu.memref_slice %arg6[%dma_wait3A_291, %dma_wait3A_292] : memref<10000x128xf32, #tpu.memory_space<hbm>> -> memref<10000x128xf32, #tpu.memory_space<hbm>>
      tpu.wait_indirect_dma semaphore(%arg18 : memref<!tpu.dma_semaphore, #tpu.memory_space<semaphore_mem>>) src(%dma_wait3A_290 : memref<16x128xf32, #tpu.memory_space<vmem>>) dst(%dma_wait3A_293 : memref<10000x128xf32, #tpu.memory_space<hbm>>)
      %dma_wait3A_294 = arith.constant 160 : i32
      %dma_wait3A_295 = arith.constant 0 : i32
      %dma_wait3A_296 = tpu.memref_slice %arg10[%dma_wait3A_294, %dma_wait3A_295] : memref<400x128xf32, #tpu.memory_space<vmem>> -> memref<16x128xf32, #tpu.memory_space<vmem>>
      %dma_wait3A_297 = arith.constant 0 : i32
      %dma_wait3A_298 = arith.constant 0 : i32
      %dma_wait3A_299 = tpu.memref_slice %arg6[%dma_wait3A_297, %dma_wait3A_298] : memref<10000x128xf32, #tpu.memory_space<hbm>> -> memref<10000x128xf32, #tpu.memory_space<hbm>>
      tpu.wait_indirect_dma semaphore(%arg18 : memref<!tpu.dma_semaphore, #tpu.memory_space<semaphore_mem>>) src(%dma_wait3A_296 : memref<16x128xf32, #tpu.memory_space<vmem>>) dst(%dma_wait3A_299 : memref<10000x128xf32, #tpu.memory_space<hbm>>)
      %dma_wait3A_300 = arith.constant 176 : i32
      %dma_wait3A_301 = arith.constant 0 : i32
      %dma_wait3A_302 = tpu.memref_slice %arg10[%dma_wait3A_300, %dma_wait3A_301] : memref<400x128xf32, #tpu.memory_space<vmem>> -> memref<16x128xf32, #tpu.memory_space<vmem>>
      %dma_wait3A_303 = arith.constant 0 : i32
      %dma_wait3A_304 = arith.constant 0 : i32
      %dma_wait3A_305 = tpu.memref_slice %arg6[%dma_wait3A_303, %dma_wait3A_304] : memref<10000x128xf32, #tpu.memory_space<hbm>> -> memref<10000x128xf32, #tpu.memory_space<hbm>>
      tpu.wait_indirect_dma semaphore(%arg18 : memref<!tpu.dma_semaphore, #tpu.memory_space<semaphore_mem>>) src(%dma_wait3A_302 : memref<16x128xf32, #tpu.memory_space<vmem>>) dst(%dma_wait3A_305 : memref<10000x128xf32, #tpu.memory_space<hbm>>)
      %dma_wait3A_306 = arith.constant 192 : i32
      %dma_wait3A_307 = arith.constant 0 : i32
      %dma_wait3A_308 = tpu.memref_slice %arg10[%dma_wait3A_306, %dma_wait3A_307] : memref<400x128xf32, #tpu.memory_space<vmem>> -> memref<16x128xf32, #tpu.memory_space<vmem>>
      %dma_wait3A_309 = arith.constant 0 : i32
      %dma_wait3A_310 = arith.constant 0 : i32
      %dma_wait3A_311 = tpu.memref_slice %arg6[%dma_wait3A_309, %dma_wait3A_310] : memref<10000x128xf32, #tpu.memory_space<hbm>> -> memref<10000x128xf32, #tpu.memory_space<hbm>>
      tpu.wait_indirect_dma semaphore(%arg18 : memref<!tpu.dma_semaphore, #tpu.memory_space<semaphore_mem>>) src(%dma_wait3A_308 : memref<16x128xf32, #tpu.memory_space<vmem>>) dst(%dma_wait3A_311 : memref<10000x128xf32, #tpu.memory_space<hbm>>)
      %dma_wait3A_312 = arith.constant 208 : i32
      %dma_wait3A_313 = arith.constant 0 : i32
      %dma_wait3A_314 = tpu.memref_slice %arg10[%dma_wait3A_312, %dma_wait3A_313] : memref<400x128xf32, #tpu.memory_space<vmem>> -> memref<16x128xf32, #tpu.memory_space<vmem>>
      %dma_wait3A_315 = arith.constant 0 : i32
      %dma_wait3A_316 = arith.constant 0 : i32
      %dma_wait3A_317 = tpu.memref_slice %arg6[%dma_wait3A_315, %dma_wait3A_316] : memref<10000x128xf32, #tpu.memory_space<hbm>> -> memref<10000x128xf32, #tpu.memory_space<hbm>>
      tpu.wait_indirect_dma semaphore(%arg18 : memref<!tpu.dma_semaphore, #tpu.memory_space<semaphore_mem>>) src(%dma_wait3A_314 : memref<16x128xf32, #tpu.memory_space<vmem>>) dst(%dma_wait3A_317 : memref<10000x128xf32, #tpu.memory_space<hbm>>)
      %dma_wait3A_318 = arith.constant 224 : i32
      %dma_wait3A_319 = arith.constant 0 : i32
      %dma_wait3A_320 = tpu.memref_slice %arg10[%dma_wait3A_318, %dma_wait3A_319] : memref<400x128xf32, #tpu.memory_space<vmem>> -> memref<16x128xf32, #tpu.memory_space<vmem>>
      %dma_wait3A_321 = arith.constant 0 : i32
      %dma_wait3A_322 = arith.constant 0 : i32
      %dma_wait3A_323 = tpu.memref_slice %arg6[%dma_wait3A_321, %dma_wait3A_322] : memref<10000x128xf32, #tpu.memory_space<hbm>> -> memref<10000x128xf32, #tpu.memory_space<hbm>>
      tpu.wait_indirect_dma semaphore(%arg18 : memref<!tpu.dma_semaphore, #tpu.memory_space<semaphore_mem>>) src(%dma_wait3A_320 : memref<16x128xf32, #tpu.memory_space<vmem>>) dst(%dma_wait3A_323 : memref<10000x128xf32, #tpu.memory_space<hbm>>)
      %dma_wait3A_324 = arith.constant 240 : i32
      %dma_wait3A_325 = arith.constant 0 : i32
      %dma_wait3A_326 = tpu.memref_slice %arg10[%dma_wait3A_324, %dma_wait3A_325] : memref<400x128xf32, #tpu.memory_space<vmem>> -> memref<16x128xf32, #tpu.memory_space<vmem>>
      %dma_wait3A_327 = arith.constant 0 : i32
      %dma_wait3A_328 = arith.constant 0 : i32
      %dma_wait3A_329 = tpu.memref_slice %arg6[%dma_wait3A_327, %dma_wait3A_328] : memref<10000x128xf32, #tpu.memory_space<hbm>> -> memref<10000x128xf32, #tpu.memory_space<hbm>>
      tpu.wait_indirect_dma semaphore(%arg18 : memref<!tpu.dma_semaphore, #tpu.memory_space<semaphore_mem>>) src(%dma_wait3A_326 : memref<16x128xf32, #tpu.memory_space<vmem>>) dst(%dma_wait3A_329 : memref<10000x128xf32, #tpu.memory_space<hbm>>)
      %dma_wait3A_330 = arith.constant 256 : i32
      %dma_wait3A_331 = arith.constant 0 : i32
      %dma_wait3A_332 = tpu.memref_slice %arg10[%dma_wait3A_330, %dma_wait3A_331] : memref<400x128xf32, #tpu.memory_space<vmem>> -> memref<16x128xf32, #tpu.memory_space<vmem>>
      %dma_wait3A_333 = arith.constant 0 : i32
      %dma_wait3A_334 = arith.constant 0 : i32
      %dma_wait3A_335 = tpu.memref_slice %arg6[%dma_wait3A_333, %dma_wait3A_334] : memref<10000x128xf32, #tpu.memory_space<hbm>> -> memref<10000x128xf32, #tpu.memory_space<hbm>>
      tpu.wait_indirect_dma semaphore(%arg18 : memref<!tpu.dma_semaphore, #tpu.memory_space<semaphore_mem>>) src(%dma_wait3A_332 : memref<16x128xf32, #tpu.memory_space<vmem>>) dst(%dma_wait3A_335 : memref<10000x128xf32, #tpu.memory_space<hbm>>)
      %dma_wait3A_336 = arith.constant 272 : i32
      %dma_wait3A_337 = arith.constant 0 : i32
      %dma_wait3A_338 = tpu.memref_slice %arg10[%dma_wait3A_336, %dma_wait3A_337] : memref<400x128xf32, #tpu.memory_space<vmem>> -> memref<16x128xf32, #tpu.memory_space<vmem>>
      %dma_wait3A_339 = arith.constant 0 : i32
      %dma_wait3A_340 = arith.constant 0 : i32
      %dma_wait3A_341 = tpu.memref_slice %arg6[%dma_wait3A_339, %dma_wait3A_340] : memref<10000x128xf32, #tpu.memory_space<hbm>> -> memref<10000x128xf32, #tpu.memory_space<hbm>>
      tpu.wait_indirect_dma semaphore(%arg18 : memref<!tpu.dma_semaphore, #tpu.memory_space<semaphore_mem>>) src(%dma_wait3A_338 : memref<16x128xf32, #tpu.memory_space<vmem>>) dst(%dma_wait3A_341 : memref<10000x128xf32, #tpu.memory_space<hbm>>)
      %dma_wait3A_342 = arith.constant 288 : i32
      %dma_wait3A_343 = arith.constant 0 : i32
      %dma_wait3A_344 = tpu.memref_slice %arg10[%dma_wait3A_342, %dma_wait3A_343] : memref<400x128xf32, #tpu.memory_space<vmem>> -> memref<16x128xf32, #tpu.memory_space<vmem>>
      %dma_wait3A_345 = arith.constant 0 : i32
      %dma_wait3A_346 = arith.constant 0 : i32
      %dma_wait3A_347 = tpu.memref_slice %arg6[%dma_wait3A_345, %dma_wait3A_346] : memref<10000x128xf32, #tpu.memory_space<hbm>> -> memref<10000x128xf32, #tpu.memory_space<hbm>>
      tpu.wait_indirect_dma semaphore(%arg18 : memref<!tpu.dma_semaphore, #tpu.memory_space<semaphore_mem>>) src(%dma_wait3A_344 : memref<16x128xf32, #tpu.memory_space<vmem>>) dst(%dma_wait3A_347 : memref<10000x128xf32, #tpu.memory_space<hbm>>)
      %dma_wait3A_348 = arith.constant 304 : i32
      %dma_wait3A_349 = arith.constant 0 : i32
      %dma_wait3A_350 = tpu.memref_slice %arg10[%dma_wait3A_348, %dma_wait3A_349] : memref<400x128xf32, #tpu.memory_space<vmem>> -> memref<16x128xf32, #tpu.memory_space<vmem>>
      %dma_wait3A_351 = arith.constant 0 : i32
      %dma_wait3A_352 = arith.constant 0 : i32
      %dma_wait3A_353 = tpu.memref_slice %arg6[%dma_wait3A_351, %dma_wait3A_352] : memref<10000x128xf32, #tpu.memory_space<hbm>> -> memref<10000x128xf32, #tpu.memory_space<hbm>>
      tpu.wait_indirect_dma semaphore(%arg18 : memref<!tpu.dma_semaphore, #tpu.memory_space<semaphore_mem>>) src(%dma_wait3A_350 : memref<16x128xf32, #tpu.memory_space<vmem>>) dst(%dma_wait3A_353 : memref<10000x128xf32, #tpu.memory_space<hbm>>)
      %dma_wait3A_354 = arith.constant 320 : i32
      %dma_wait3A_355 = arith.constant 0 : i32
      %dma_wait3A_356 = tpu.memref_slice %arg10[%dma_wait3A_354, %dma_wait3A_355] : memref<400x128xf32, #tpu.memory_space<vmem>> -> memref<16x128xf32, #tpu.memory_space<vmem>>
      %dma_wait3A_357 = arith.constant 0 : i32
      %dma_wait3A_358 = arith.constant 0 : i32
      %dma_wait3A_359 = tpu.memref_slice %arg6[%dma_wait3A_357, %dma_wait3A_358] : memref<10000x128xf32, #tpu.memory_space<hbm>> -> memref<10000x128xf32, #tpu.memory_space<hbm>>
      tpu.wait_indirect_dma semaphore(%arg18 : memref<!tpu.dma_semaphore, #tpu.memory_space<semaphore_mem>>) src(%dma_wait3A_356 : memref<16x128xf32, #tpu.memory_space<vmem>>) dst(%dma_wait3A_359 : memref<10000x128xf32, #tpu.memory_space<hbm>>)
      %dma_wait3A_360 = arith.constant 336 : i32
      %dma_wait3A_361 = arith.constant 0 : i32
      %dma_wait3A_362 = tpu.memref_slice %arg10[%dma_wait3A_360, %dma_wait3A_361] : memref<400x128xf32, #tpu.memory_space<vmem>> -> memref<16x128xf32, #tpu.memory_space<vmem>>
      %dma_wait3A_363 = arith.constant 0 : i32
      %dma_wait3A_364 = arith.constant 0 : i32
      %dma_wait3A_365 = tpu.memref_slice %arg6[%dma_wait3A_363, %dma_wait3A_364] : memref<10000x128xf32, #tpu.memory_space<hbm>> -> memref<10000x128xf32, #tpu.memory_space<hbm>>
      tpu.wait_indirect_dma semaphore(%arg18 : memref<!tpu.dma_semaphore, #tpu.memory_space<semaphore_mem>>) src(%dma_wait3A_362 : memref<16x128xf32, #tpu.memory_space<vmem>>) dst(%dma_wait3A_365 : memref<10000x128xf32, #tpu.memory_space<hbm>>)
      %dma_wait3A_366 = arith.constant 352 : i32
      %dma_wait3A_367 = arith.constant 0 : i32
      %dma_wait3A_368 = tpu.memref_slice %arg10[%dma_wait3A_366, %dma_wait3A_367] : memref<400x128xf32, #tpu.memory_space<vmem>> -> memref<16x128xf32, #tpu.memory_space<vmem>>
      %dma_wait3A_369 = arith.constant 0 : i32
      %dma_wait3A_370 = arith.constant 0 : i32
      %dma_wait3A_371 = tpu.memref_slice %arg6[%dma_wait3A_369, %dma_wait3A_370] : memref<10000x128xf32, #tpu.memory_space<hbm>> -> memref<10000x128xf32, #tpu.memory_space<hbm>>
      tpu.wait_indirect_dma semaphore(%arg18 : memref<!tpu.dma_semaphore, #tpu.memory_space<semaphore_mem>>) src(%dma_wait3A_368 : memref<16x128xf32, #tpu.memory_space<vmem>>) dst(%dma_wait3A_371 : memref<10000x128xf32, #tpu.memory_space<hbm>>)
      %dma_wait3A_372 = arith.constant 368 : i32
      %dma_wait3A_373 = arith.constant 0 : i32
      %dma_wait3A_374 = tpu.memref_slice %arg10[%dma_wait3A_372, %dma_wait3A_373] : memref<400x128xf32, #tpu.memory_space<vmem>> -> memref<16x128xf32, #tpu.memory_space<vmem>>
      %dma_wait3A_375 = arith.constant 0 : i32
      %dma_wait3A_376 = arith.constant 0 : i32
      %dma_wait3A_377 = tpu.memref_slice %arg6[%dma_wait3A_375, %dma_wait3A_376] : memref<10000x128xf32, #tpu.memory_space<hbm>> -> memref<10000x128xf32, #tpu.memory_space<hbm>>
      tpu.wait_indirect_dma semaphore(%arg18 : memref<!tpu.dma_semaphore, #tpu.memory_space<semaphore_mem>>) src(%dma_wait3A_374 : memref<16x128xf32, #tpu.memory_space<vmem>>) dst(%dma_wait3A_377 : memref<10000x128xf32, #tpu.memory_space<hbm>>)
      %dma_wait3A_378 = arith.constant 384 : i32
      %dma_wait3A_379 = arith.constant 0 : i32
      %dma_wait3A_380 = tpu.memref_slice %arg10[%dma_wait3A_378, %dma_wait3A_379] : memref<400x128xf32, #tpu.memory_space<vmem>> -> memref<16x128xf32, #tpu.memory_space<vmem>>
      %dma_wait3A_381 = arith.constant 0 : i32
      %dma_wait3A_382 = arith.constant 0 : i32
      %dma_wait3A_383 = tpu.memref_slice %arg6[%dma_wait3A_381, %dma_wait3A_382] : memref<10000x128xf32, #tpu.memory_space<hbm>> -> memref<10000x128xf32, #tpu.memory_space<hbm>>
      tpu.wait_indirect_dma semaphore(%arg18 : memref<!tpu.dma_semaphore, #tpu.memory_space<semaphore_mem>>) src(%dma_wait3A_380 : memref<16x128xf32, #tpu.memory_space<vmem>>) dst(%dma_wait3A_383 : memref<10000x128xf32, #tpu.memory_space<hbm>>)
    } else {
    }
    %eq3A = arith.constant 25 : i32
    %eq3A_3 = arith.cmpi eq, %add3A, %eq3A : i32
    %convert_element_type3A_4 = arith.extui %eq3A_3 : i1 to i32
    %cond3A_5 = arith.constant 0 : i32
    %cond3A_6 = arith.cmpi ne, %convert_element_type3A_4, %cond3A_5 : i32
    scf.if %cond3A_6 {
      %scan3A_33 = arith.constant 0 : i32
      %scan3A_34 = arith.constant 0 : i32
      %scan3A_35 = arith.constant 625 : i32
      %scan3A_36 = arith.addi %scan3A_34, %scan3A_35 : i32
      %scan3A_37 = arith.constant 1 : i32
      scf.for %scan3A_39 = %scan3A_34 to %scan3A_36 step %scan3A_37  : i32 {
        %mul3A_40 = arith.constant 16 : i32
        %mul3A_41 = arith.muli %scan3A_39, %mul3A_40 : i32
        %get3A = arith.index_cast %mul3A_41 : i32 to index
        %get3A_42 = tpu.vector_load %arg12[%get3A] {strides = array<i32>} : memref<10000xi32, #tpu.memory_space<vmem>>, vector<16xi32>,
        %mul3A_43 = arith.constant 16 : i32
        %mul3A_44 = arith.muli %scan3A_39, %mul3A_43 : i32
        %iota3A = tpu.iota {dimensions = array<i32: 0>} : vector<16xi32>
        %add3A_45 = vector.broadcast %mul3A_44 : i32 to vector<16xi32>
        %add3A_46 = arith.addi %add3A_45, %iota3A : vector<16xi32>
        tpu.vector_store_idx %arg14[%get3A_42], %add3A_46 : memref<10000xi32, #tpu.memory_space<vmem>>[vector<16xi32>], vector<16xi32>,
      }
      %scan3A_38 = arith.constant 625 : i32
      "tpu.region"() ({
        %run_scoped3A = tpu.sem_alloc : memref<!tpu.dma_semaphore, #tpu.memory_space<semaphore_mem>>
        tpu.enqueue_dma source(%arg14 : memref<10000xi32, #tpu.memory_space<vmem>>) target(%arg7 : memref<10000xi32, #tpu.memory_space<hbm>>) target_semaphore(%run_scoped3A : memref<!tpu.dma_semaphore, #tpu.memory_space<semaphore_mem>>)
        tpu.wait_dma2 semaphore(%run_scoped3A : memref<!tpu.dma_semaphore, #tpu.memory_space<semaphore_mem>>) src(%arg14 : memref<10000xi32, #tpu.memory_space<vmem>>) dst(%arg7 : memref<10000xi32, #tpu.memory_space<hbm>>)
        tpu.yield
      }) : () -> ()
    } else {
    }
    %eq3A_7 = arith.constant 26 : i32
    %eq3A_8 = arith.cmpi eq, %add3A, %eq3A_7 : i32
    %convert_element_type3A_9 = arith.extui %eq3A_8 : i1 to i32
    %cond3A_10 = arith.constant 0 : i32
    %cond3A_11 = arith.cmpi ne, %convert_element_type3A_9, %cond3A_10 : i32
    scf.if %cond3A_11 {
      "tpu.region"() ({
        %run_scoped3A = tpu.sem_alloc : memref<!tpu.dma_semaphore, #tpu.memory_space<semaphore_mem>>
        tpu.enqueue_dma source(%arg4 : memref<10000xf32, #tpu.memory_space<hbm>>) target(%arg13 : memref<10000xf32, #tpu.memory_space<vmem>>) target_semaphore(%run_scoped3A : memref<!tpu.dma_semaphore, #tpu.memory_space<semaphore_mem>>)
        tpu.wait_dma2 semaphore(%run_scoped3A : memref<!tpu.dma_semaphore, #tpu.memory_space<semaphore_mem>>) src(%arg4 : memref<10000xf32, #tpu.memory_space<hbm>>) dst(%arg13 : memref<10000xf32, #tpu.memory_space<vmem>>)
        tpu.yield
      }) : () -> ()
      %scan3A_33 = arith.constant 0 : i32
      %scan3A_34 = arith.constant 0 : i32
      %scan3A_35 = arith.constant 625 : i32
      %scan3A_36 = arith.addi %scan3A_34, %scan3A_35 : i32
      %scan3A_37 = arith.constant 1 : i32
      scf.for %scan3A_39 = %scan3A_34 to %scan3A_36 step %scan3A_37  : i32 {
        %mul3A_40 = arith.constant 16 : i32
        %mul3A_41 = arith.muli %scan3A_39, %mul3A_40 : i32
        %get3A = arith.index_cast %mul3A_41 : i32 to index
        %get3A_42 = tpu.vector_load %arg12[%get3A] {strides = array<i32>} : memref<10000xi32, #tpu.memory_space<vmem>>, vector<16xi32>,
        %mul3A_43 = arith.constant 16 : i32
        %mul3A_44 = arith.muli %scan3A_39, %mul3A_43 : i32
        %get3A_45 = arith.index_cast %mul3A_44 : i32 to index
        %get3A_46 = tpu.vector_load %arg13[%get3A_45] {strides = array<i32>} : memref<10000xf32, #tpu.memory_space<vmem>>, vector<16xf32>,
        tpu.vector_store_idx %arg15[%get3A_42], %get3A_46 : memref<10000xf32, #tpu.memory_space<vmem>>[vector<16xi32>], vector<16xf32>,
      }
      %scan3A_38 = arith.constant 625 : i32
      "tpu.region"() ({
        %run_scoped3A = tpu.sem_alloc : memref<!tpu.dma_semaphore, #tpu.memory_space<semaphore_mem>>
        tpu.enqueue_dma source(%arg15 : memref<10000xf32, #tpu.memory_space<vmem>>) target(%arg8 : memref<10000xf32, #tpu.memory_space<hbm>>) target_semaphore(%run_scoped3A : memref<!tpu.dma_semaphore, #tpu.memory_space<semaphore_mem>>)
        tpu.wait_dma2 semaphore(%run_scoped3A : memref<!tpu.dma_semaphore, #tpu.memory_space<semaphore_mem>>) src(%arg15 : memref<10000xf32, #tpu.memory_space<vmem>>) dst(%arg8 : memref<10000xf32, #tpu.memory_space<hbm>>)
        tpu.yield
      }) : () -> ()
    } else {
    }
    %mul3A_12 = arith.constant 20000 : i32
    %mul3A_13 = arith.muli %add3A, %mul3A_12 : i32
    %add3A_14 = arith.constant 0 : i32
    %add3A_15 = arith.addi %mul3A_13, %add3A_14 : i32
    "tpu.region"() ({
      %run_scoped3A = tpu.sem_alloc : memref<!tpu.dma_semaphore, #tpu.memory_space<semaphore_mem>>
      %dma_start3A = tpu.memref_slice %arg5[%add3A_15] : memref<640000xi32, #tpu.memory_space<hbm>> -> memref<10000xi32, #tpu.memory_space<hbm>>
      %dma_start3A_33 = tpu.memref_slice %arg5[%add3A_15] : memref<640000xi32, #tpu.memory_space<hbm>> -> memref<10000xi32, #tpu.memory_space<hbm>>
      tpu.enqueue_dma source(%dma_start3A_33 : memref<10000xi32, #tpu.memory_space<hbm>>) target(%arg16 : memref<10000xi32, #tpu.memory_space<vmem>>) target_semaphore(%run_scoped3A : memref<!tpu.dma_semaphore, #tpu.memory_space<semaphore_mem>>)
      %dma_wait3A = tpu.memref_slice %arg5[%add3A_15] : memref<640000xi32, #tpu.memory_space<hbm>> -> memref<10000xi32, #tpu.memory_space<hbm>>
      %dma_wait3A_34 = tpu.memref_slice %arg5[%add3A_15] : memref<640000xi32, #tpu.memory_space<hbm>> -> memref<10000xi32, #tpu.memory_space<hbm>>
      tpu.wait_dma2 semaphore(%run_scoped3A : memref<!tpu.dma_semaphore, #tpu.memory_space<semaphore_mem>>) src(%dma_wait3A_34 : memref<10000xi32, #tpu.memory_space<hbm>>) dst(%arg16 : memref<10000xi32, #tpu.memory_space<vmem>>)
      tpu.yield
    }) : () -> ()
    %scan3A = arith.constant 0 : i32
    %scan3A_16 = arith.constant 0 : i32
    %scan3A_17 = arith.constant 625 : i32
    %scan3A_18 = arith.addi %scan3A_16, %scan3A_17 : i32
    %scan3A_19 = arith.constant 1 : i32
    scf.for %scan3A_33 = %scan3A_16 to %scan3A_18 step %scan3A_19  : i32 {
      %mul3A_34 = arith.constant 16 : i32
      %mul3A_35 = arith.muli %scan3A_33, %mul3A_34 : i32
      %get3A = arith.index_cast %mul3A_35 : i32 to index
      %get3A_36 = tpu.vector_load %arg16[%get3A] {strides = array<i32>} : memref<10000xi32, #tpu.memory_space<vmem>>, vector<16xi32>,
      %gather3A = tpu.vector_load_idx %arg12[%get3A_36] : memref<10000xi32, #tpu.memory_space<vmem>>[vector<16xi32>], vector<16xi32>,
      %mul3A_37 = arith.constant 16 : i32
      %mul3A_38 = arith.muli %scan3A_33, %mul3A_37 : i32
      %swap3A = arith.index_cast %mul3A_38 : i32 to index
      %swap3A_39 = tpu.vector_load %arg17[%swap3A] {strides = array<i32>} : memref<10000xi32, #tpu.memory_space<vmem>>, vector<16xi32>,
      tpu.vector_store %arg17[%swap3A], %gather3A {strides = array<i32>} : memref<10000xi32, #tpu.memory_space<vmem>>, vector<16xi32>,
    }
    %scan3A_20 = arith.constant 625 : i32
    %add3A_21 = arith.constant 0 : i32
    %add3A_22 = arith.addi %mul3A_13, %add3A_21 : i32
    "tpu.region"() ({
      %run_scoped3A = tpu.sem_alloc : memref<!tpu.dma_semaphore, #tpu.memory_space<semaphore_mem>>
      %dma_start3A = tpu.memref_slice %arg9[%add3A_22] : memref<640000xi32, #tpu.memory_space<hbm>> -> memref<10000xi32, #tpu.memory_space<hbm>>
      %dma_start3A_33 = tpu.memref_slice %arg9[%add3A_22] : memref<640000xi32, #tpu.memory_space<hbm>> -> memref<10000xi32, #tpu.memory_space<hbm>>
      tpu.enqueue_dma source(%arg17 : memref<10000xi32, #tpu.memory_space<vmem>>) target(%dma_start3A_33 : memref<10000xi32, #tpu.memory_space<hbm>>) target_semaphore(%run_scoped3A : memref<!tpu.dma_semaphore, #tpu.memory_space<semaphore_mem>>)
      %dma_wait3A = tpu.memref_slice %arg9[%add3A_22] : memref<640000xi32, #tpu.memory_space<hbm>> -> memref<10000xi32, #tpu.memory_space<hbm>>
      %dma_wait3A_34 = tpu.memref_slice %arg9[%add3A_22] : memref<640000xi32, #tpu.memory_space<hbm>> -> memref<10000xi32, #tpu.memory_space<hbm>>
      tpu.wait_dma2 semaphore(%run_scoped3A : memref<!tpu.dma_semaphore, #tpu.memory_space<semaphore_mem>>) src(%arg17 : memref<10000xi32, #tpu.memory_space<vmem>>) dst(%dma_wait3A_34 : memref<10000xi32, #tpu.memory_space<hbm>>)
      tpu.yield
    }) : () -> ()
    %add3A_23 = arith.constant 10000 : i32
    %add3A_24 = arith.addi %mul3A_13, %add3A_23 : i32
    "tpu.region"() ({
      %run_scoped3A = tpu.sem_alloc : memref<!tpu.dma_semaphore, #tpu.memory_space<semaphore_mem>>
      %dma_start3A = tpu.memref_slice %arg5[%add3A_24] : memref<640000xi32, #tpu.memory_space<hbm>> -> memref<10000xi32, #tpu.memory_space<hbm>>
      %dma_start3A_33 = tpu.memref_slice %arg5[%add3A_24] : memref<640000xi32, #tpu.memory_space<hbm>> -> memref<10000xi32, #tpu.memory_space<hbm>>
      tpu.enqueue_dma source(%dma_start3A_33 : memref<10000xi32, #tpu.memory_space<hbm>>) target(%arg16 : memref<10000xi32, #tpu.memory_space<vmem>>) target_semaphore(%run_scoped3A : memref<!tpu.dma_semaphore, #tpu.memory_space<semaphore_mem>>)
      %dma_wait3A = tpu.memref_slice %arg5[%add3A_24] : memref<640000xi32, #tpu.memory_space<hbm>> -> memref<10000xi32, #tpu.memory_space<hbm>>
      %dma_wait3A_34 = tpu.memref_slice %arg5[%add3A_24] : memref<640000xi32, #tpu.memory_space<hbm>> -> memref<10000xi32, #tpu.memory_space<hbm>>
      tpu.wait_dma2 semaphore(%run_scoped3A : memref<!tpu.dma_semaphore, #tpu.memory_space<semaphore_mem>>) src(%dma_wait3A_34 : memref<10000xi32, #tpu.memory_space<hbm>>) dst(%arg16 : memref<10000xi32, #tpu.memory_space<vmem>>)
      tpu.yield
    }) : () -> ()
    %scan3A_25 = arith.constant 0 : i32
    %scan3A_26 = arith.constant 0 : i32
    %scan3A_27 = arith.constant 625 : i32
    %scan3A_28 = arith.addi %scan3A_26, %scan3A_27 : i32
    %scan3A_29 = arith.constant 1 : i32
    scf.for %scan3A_33 = %scan3A_26 to %scan3A_28 step %scan3A_29  : i32 {
      %mul3A_34 = arith.constant 16 : i32
      %mul3A_35 = arith.muli %scan3A_33, %mul3A_34 : i32
      %get3A = arith.index_cast %mul3A_35 : i32 to index
      %get3A_36 = tpu.vector_load %arg16[%get3A] {strides = array<i32>} : memref<10000xi32, #tpu.memory_space<vmem>>, vector<16xi32>,
      %gather3A = tpu.vector_load_idx %arg12[%get3A_36] : memref<10000xi32, #tpu.memory_space<vmem>>[vector<16xi32>], vector<16xi32>,
      %mul3A_37 = arith.constant 16 : i32
      %mul3A_38 = arith.muli %scan3A_33, %mul3A_37 : i32
      %swap3A = arith.index_cast %mul3A_38 : i32 to index
      %swap3A_39 = tpu.vector_load %arg17[%swap3A] {strides = array<i32>} : memref<10000xi32, #tpu.memory_space<vmem>>, vector<16xi32>,
      tpu.vector_store %arg17[%swap3A], %gather3A {strides = array<i32>} : memref<10000xi32, #tpu.memory_space<vmem>>, vector<16xi32>,
    }
    %scan3A_30 = arith.constant 625 : i32
    %add3A_31 = arith.constant 10000 : i32
    %add3A_32 = arith.addi %mul3A_13, %add3A_31 : i32
    "tpu.region"() ({
      %run_scoped3A = tpu.sem_alloc : memref<!tpu.dma_semaphore, #tpu.memory_space<semaphore_mem>>
      %dma_start3A = tpu.memref_slice %arg9[%add3A_32] : memref<640000xi32, #tpu.memory_space<hbm>> -> memref<10000xi32, #tpu.memory_space<hbm>>
      %dma_start3A_33 = tpu.memref_slice %arg9[%add3A_32] : memref<640000xi32, #tpu.memory_space<hbm>> -> memref<10000xi32, #tpu.memory_space<hbm>>
      tpu.enqueue_dma source(%arg17 : memref<10000xi32, #tpu.memory_space<vmem>>) target(%dma_start3A_33 : memref<10000xi32, #tpu.memory_space<hbm>>) target_semaphore(%run_scoped3A : memref<!tpu.dma_semaphore, #tpu.memory_space<semaphore_mem>>)
      %dma_wait3A = tpu.memref_slice %arg9[%add3A_32] : memref<640000xi32, #tpu.memory_space<hbm>> -> memref<10000xi32, #tpu.memory_space<hbm>>
      %dma_wait3A_34 = tpu.memref_slice %arg9[%add3A_32] : memref<640000xi32, #tpu.memory_space<hbm>> -> memref<10000xi32, #tpu.memory_space<hbm>>
      tpu.wait_dma2 semaphore(%run_scoped3A : memref<!tpu.dma_semaphore, #tpu.memory_space<semaphore_mem>>) src(%arg17 : memref<10000xi32, #tpu.memory_space<vmem>>) dst(%dma_wait3A_34 : memref<10000xi32, #tpu.memory_space<hbm>>)
      tpu.yield
    }) : () -> ()
    return
  }
}

module attributes {stable_mosaic.version = 14 : i64} {
  func.func @_dot_body(%arg0: memref<10000x128xf32, #tpu.memory_space<vmem>>, %arg1: memref<8x128xf32, #tpu.memory_space<vmem>>, %arg2: memref<10000x8xf32, #tpu.memory_space<vmem>>) attributes {dimension_semantics = [], scalar_prefetch = 0 : i64, scratch_operands = 0 : i64, tpu.core_type = #tpu.core_type<tc>} {
    %get3A = arith.constant 0 : index
    %get3A_0 = arith.constant 0 : index
    %get3A_1 = vector.load %arg0[%get3A, %get3A_0] : memref<10000x128xf32, #tpu.memory_space<vmem>>, vector<10000x128xf32>
    %get3A_2 = arith.constant 0 : index
    %get3A_3 = arith.constant 0 : index
    %get3A_4 = vector.load %arg1[%get3A_2, %get3A_3] : memref<8x128xf32, #tpu.memory_space<vmem>>, vector<8x128xf32>
    %dot_general3A = arith.constant dense<0.000000e+00> : vector<10000x8xf32>
    %dot_general3A_5 = tpu.matmul %get3A_1, %get3A_4, %dot_general3A {dimension_numbers = #tpu.dot_dimension_numbers<[1], [1], [0], [0], [0, 0, 1, 0], [], []>, transpose_lhs_hint = false} : vector<10000x128xf32>, vector<8x128xf32>, vector<10000x8xf32> -> vector<10000x8xf32>
    %swap3A = arith.constant 0 : index
    %swap3A_6 = arith.constant 0 : index
    %swap3A_7 = vector.load %arg2[%swap3A, %swap3A_6] : memref<10000x8xf32, #tpu.memory_space<vmem>>, vector<10000x8xf32>
    tpu.vector_store %arg2[%swap3A, %swap3A_6], %dot_general3A_5 {strides = array<i32>} : memref<10000x8xf32, #tpu.memory_space<vmem>>, vector<10000x8xf32>,
    return
  }
}

module attributes {stable_mosaic.version = 14 : i64} {
  func.func @_rank_body(%arg0: i32, %arg1: memref<256x1xi32, #tpu.memory_space<vmem>>, %arg2: memref<1x20480xi32, #tpu.memory_space<vmem>>, %arg3: memref<256x1xi32, #tpu.memory_space<vmem>>) attributes {dimension_semantics = [#tpu.dimension_semantics<arbitrary>], iteration_bounds = array<i64: 40>, scalar_prefetch = 0 : i64, scratch_operands = 0 : i64, tpu.core_type = #tpu.core_type<tc>, window_params = [{transform_indices = @transform_0, window_bounds = array<i64: 256, 1>}, {pipeline_mode = #tpu.pipeline_mode<synchronous>, transform_indices = @transform_1, window_bounds = array<i64: 1, 20480>}, {transform_indices = @transform_2, window_bounds = array<i64: 256, 1>}]} {
    %get3A = arith.constant 0 : index
    %get3A_0 = arith.constant 0 : index
    %get3A_1 = vector.load %arg1[%get3A, %get3A_0] : memref<256x1xi32, #tpu.memory_space<vmem>>, vector<256x1xi32>
    %mul3A = arith.constant 2 : i32
    %mul3A_2 = arith.muli %mul3A, %arg0 : i32
    %broadcast_in_dim3A = arith.constant 0 : i32
    %broadcast_in_dim3A_3 = vector.broadcast %broadcast_in_dim3A : i32 to vector<256x128xi32>
    %scan3A = arith.constant 0 : i32
    %scan3A_4 = arith.constant 80 : i32
    %scan3A_5 = arith.addi %scan3A, %scan3A_4 : i32
    %scan3A_6 = arith.constant 1 : i32
    %scan3A_7 = scf.for %scan3A_47 = %scan3A to %scan3A_5 step %scan3A_6 iter_args(%scan3A_48 = %broadcast_in_dim3A_3) -> (vector<256x128xi32>)  : i32 {
      %lt3A_49 = arith.cmpi slt, %scan3A_47, %mul3A_2 : i32
      %jit3A = arith.constant 0 : i32
      %jit3A_50 = arith.constant 10240 : i32
      %select_n3A = arith.select %lt3A_49, %jit3A, %jit3A_50 : i32
      %mul3A_51 = arith.constant 128 : i32
      %mul3A_52 = arith.muli %scan3A_47, %mul3A_51 : i32
      %add3A_53 = arith.addi %select_n3A, %mul3A_52 : i32
      %get3A_54 = arith.constant 0 : index
      %get3A_55 = arith.index_cast %add3A_53 : i32 to index
      %get3A_56 = vector.load %arg2[%get3A_54, %get3A_55] : memref<1x20480xi32, #tpu.memory_space<vmem>>, vector<1x128xi32>
      %gt3A = vector.broadcast %get3A_56 : vector<1x128xi32> to vector<256x128xi32>
      %gt3A_57 = vector.broadcast %get3A_1 : vector<256x1xi32> to vector<256x128xi32>
      %gt3A_58 = arith.cmpi sgt, %gt3A, %gt3A_57 : vector<256x128xi32>
      %convert_element_type3A_59 = arith.extui %gt3A_58 : vector<256x128xi1> to vector<256x128xi32>
      %add3A_60 = arith.addi %scan3A_48, %convert_element_type3A_59 : vector<256x128xi32>
      scf.yield %add3A_60 : vector<256x128xi32>
    }
    %scan3A_8 = arith.constant 80 : i32
    %iota3A = tpu.iota {dimensions = array<i32: 1>} : vector<256x128xi32>
    %iota3A_9 = tpu.iota {dimensions = array<i32: 0>} : vector<256x128xi32>
    %add3A = arith.constant 0 : i32
    %add3A_10 = arith.addi %mul3A_2, %add3A : i32
    %mul3A_11 = arith.constant 128 : i32
    %mul3A_12 = arith.muli %add3A_10, %mul3A_11 : i32
    %add3A_13 = arith.constant 10240 : i32
    %add3A_14 = arith.addi %add3A_13, %mul3A_12 : i32
    %get3A_15 = arith.constant 0 : index
    %get3A_16 = arith.index_cast %add3A_14 : i32 to index
    %get3A_17 = vector.load %arg2[%get3A_15, %get3A_16] : memref<1x20480xi32, #tpu.memory_space<vmem>>, vector<1x128xi32>
    %eq3A = vector.broadcast %get3A_17 : vector<1x128xi32> to vector<256x128xi32>
    %eq3A_18 = vector.broadcast %get3A_1 : vector<256x1xi32> to vector<256x128xi32>
    %eq3A_19 = arith.cmpi eq, %eq3A, %eq3A_18 : vector<256x128xi32>
    %add3A_20 = arith.constant 0 : i32
    %add3A_21 = vector.broadcast %add3A_20 : i32 to vector<256x128xi32>
    %add3A_22 = arith.addi %iota3A, %add3A_21 : vector<256x128xi32>
    %lt3A = arith.cmpi slt, %add3A_22, %iota3A_9 : vector<256x128xi32>
    %and3A = arith.andi %eq3A_19, %lt3A : vector<256x128xi1>
    %convert_element_type3A = arith.extui %and3A : vector<256x128xi1> to vector<256x128xi32>
    %add3A_23 = arith.addi %scan3A_7, %convert_element_type3A : vector<256x128xi32>
    %add3A_24 = arith.constant 1 : i32
    %add3A_25 = arith.addi %mul3A_2, %add3A_24 : i32
    %mul3A_26 = arith.constant 128 : i32
    %mul3A_27 = arith.muli %add3A_25, %mul3A_26 : i32
    %add3A_28 = arith.constant 10240 : i32
    %add3A_29 = arith.addi %add3A_28, %mul3A_27 : i32
    %get3A_30 = arith.constant 0 : index
    %get3A_31 = arith.index_cast %add3A_29 : i32 to index
    %get3A_32 = vector.load %arg2[%get3A_30, %get3A_31] : memref<1x20480xi32, #tpu.memory_space<vmem>>, vector<1x128xi32>
    %eq3A_33 = vector.broadcast %get3A_32 : vector<1x128xi32> to vector<256x128xi32>
    %eq3A_34 = vector.broadcast %get3A_1 : vector<256x1xi32> to vector<256x128xi32>
    %eq3A_35 = arith.cmpi eq, %eq3A_33, %eq3A_34 : vector<256x128xi32>
    %add3A_36 = arith.constant 128 : i32
    %add3A_37 = vector.broadcast %add3A_36 : i32 to vector<256x128xi32>
    %add3A_38 = arith.addi %iota3A, %add3A_37 : vector<256x128xi32>
    %lt3A_39 = arith.cmpi slt, %add3A_38, %iota3A_9 : vector<256x128xi32>
    %and3A_40 = arith.andi %eq3A_35, %lt3A_39 : vector<256x128xi1>
    %convert_element_type3A_41 = arith.extui %and3A_40 : vector<256x128xi1> to vector<256x128xi32>
    %add3A_42 = arith.addi %add3A_23, %convert_element_type3A_41 : vector<256x128xi32>
    %reduce_sum3A = arith.constant dense<0> : vector<256xi32>
    %reduce_sum3A_43 = vector.multi_reduction <add>, %add3A_42, %reduce_sum3A [1] : vector<256x128xi32> to vector<256xi32>
    %broadcast_in_dim3A_44 = vector.shape_cast %reduce_sum3A_43 : vector<256xi32> to vector<256x1xi32>
    %swap3A = arith.constant 0 : index
    %swap3A_45 = arith.constant 0 : index
    %swap3A_46 = vector.load %arg3[%swap3A, %swap3A_45] : memref<256x1xi32, #tpu.memory_space<vmem>>, vector<256x1xi32>
    tpu.vector_store %arg3[%swap3A, %swap3A_45], %broadcast_in_dim3A_44 {strides = array<i32>} : memref<256x1xi32, #tpu.memory_space<vmem>>, vector<256x1xi32>,
    return
  }
  func.func @transform_0(%arg0: i32) -> (i32, i32) {
    %c0_i32 = arith.constant 0 : i32
    %c0_i32_0 = arith.constant 0 : i32
    return %arg0, %c0_i32 : i32, i32
  }
  func.func @transform_1(%arg0: i32) -> (i32, i32) {
    %c0_i32 = arith.constant 0 : i32
    %c0_i32_0 = arith.constant 0 : i32
    %c0_i32_1 = arith.constant 0 : i32
    return %c0_i32, %c0_i32_0 : i32, i32
  }
  func.func @transform_2(%arg0: i32) -> (i32, i32) {
    %c0_i32 = arith.constant 0 : i32
    %c0_i32_0 = arith.constant 0 : i32
    return %arg0, %c0_i32 : i32, i32
  }
}

</mosaic_0001>

<sc_bundles>
// kernel: kernel.5.cloned.1.call-start
scs
__scs_entry_jumppad:
0x0: {  	(pc) =	sbr.rel $0x88, $3  }
0x1: {  	(tag) =	ssettag $0x0;
	lr =	simm.s32 $0x1  }
0x2: {  	[smem:$0x3F9D] =	sst lr;
	_ =	strace $0xD0000000  }
0x3: {  	_ = 	snop  }
0x4: {  	_ = 	snop  }
0x5: {  	_ = 	snop  }
0x6: {  	_ = 	snop  }
0x7: {  	_ = 	snop  }
__scs_overlays_trampoline_lowered:
0x8: {  	[smem:$0x3FAC] =	sst s0  }
0x9: {  	[smem:$0x3FAD] =	sst s1  }
0xa: {  	[smem:$0x3FAE] =	sst s2  }
0xb: {  	[smem:$0x3FAF] =	sst s3  }
0xc: {  	[smem:$0x3FB0] =	sst s4  }
0xd: {  	[smem:$0x3FB1] =	sst s5  }
0xe: {  	[smem:$0x3FB2] =	sst s6  }
0xf: {  	[smem:$0x3FB3] =	sst s7  }
0x10: {  	[smem:$0x3FB4] =	sst s8  }
0x11: {  	[smem:$0x3FB5] =	sst s9;
	s0 =	simm.s32 @!p0 $0x0  }
0x12: {  	s1 =	sld [smem:$0x3F9B];
	s0 =	simm.s32 @p0 $0x1  }
0x13: {  	[smem:$0x3FB6] =	sst s0;
	s0 =	simm.s32 @!p1 $0x0  }
0x14: {  	s2 =	sld [smem:$0x3F9A];
	s0 =	simm.s32 @p1 $0x1  }
0x15: {  	[smem:$0x3FB7] =	sst s0;
	s0 =	simm.s32 @!p2 $0x0  }
0x16: {  	s3 =	sld [smem:$0x3FDB];
	s0 =	simm.s32 @p2 $0x1  }
0x17: {  	s4 =	simm.s32 $0x1BF5;
	[smem:$0x3FB9] =	sst s0  }
0x18: {  	s0 =	sld [smem:$0x3F9C];
	_ =	swait.ge [sflag:s4], $0x0  }
0x19: {  	s7 =	sld [smem:$0x3F9D]  }
0x1a: {  	s8 =	sadd.s32 $0xFFFFE003, lr  }
0x1b: {  	s9 =	sadd.s32 $0xFFFFFEF7, lr;
	s5 =	simm.s32 $0xFFFFFFFF;
	p2 =	slt.u32 s8, $0xFFFFF086  }
0x1c: {  	p1 =	slt.u32 s9, $0xF7A;
	s5 =	simm.s32 @!p2 $0x0  }
0x1d: {  	s5 =	simm.s32 @p1 $0x1;
	p0 =	seq.s32 s7, s2  }
0x1e: {  	s7 =	smul.u32 @!p0 $0xF7A, s2;
	p2 =	seq.s32 @!p0 s5, $0x0  }
0x1f: {  	s9 =	smul.u32 $0xF7A, s1;
	s8 =	simm.s32 @!p0 $0x1BF5;
	p2 =	por !p2, p0  }
0x20: {  	[sflag:s8] =	ssyncset.s32 @!p0 $0xFFFFF086;
	s6 =	sadd.s32 @!p0 s3, s7;
	s7 =	simm.s32 @!p0 $0x108  }
0x21: {  	s3 =	sadd.s32 s3, s9;
	s6 =	sadd.s32 @!p0 $0x88, s6;
	s7 =	simm.s32 @p2 $0x1082  }
0x22: {  	[simem:s7], [sflag:s8] =	dma.local @!p0 [hbm:s6], $0xF7A  }
0x23: {  	s9 =	sor.u32 $0xD0000000, s2;
	s6 =	simm.s32 $0x108;
	_ =	swait.ge @!p0 [sflag:s8], $0x0  }
0x24: {  	s3 =	sadd.s32 $0x88, s3;
	s6 =	simm.s32 @!p1 $0x1082;
	[sflag:s4] =	ssyncset.s32 $0xFFFFF086  }
0x25: {  	[simem:s6], [sflag:s4] =	dma.local [hbm:s3], $0xF7A  }
0x26: {  	[smem:$0x3F9D] =	sst s1;
	(tag) =	ssettag s2;
	_ =	strace s9  }
0x27: {  	s1 =	sld [smem:$0x3FAD]  }
0x28: {  	s2 =	sld [smem:$0x3FAE]  }
0x29: {  	s4 =	sld [smem:$0x3FB0]  }
0x2a: {  	p0 =	seq.s32 s5, $0x0;
	s5 =	sld [smem:$0x3FB1]  }
0x2b: {  	s6 =	sld [smem:$0x3FB2]  }
0x2c: {  	s7 =	sld [smem:$0x3FB3]  }
0x2d: {  	s3 =	simm.s32 $0x108;
	s8 =	sld [smem:$0x3FB4]  }
0x2e: {  	s3 =	simm.s32 @!p0 $0x1082;
	s9 =	sld [smem:$0x3FB5]  }
0x2f: {  	lr =	sadd.s32 s0, s3;
	s0 =	sld [smem:$0x3FAC]  }
0x30: {  	s3 =	sld [smem:$0x3FAF]  }
0x31: {  	[smem:$0x3FB8] =	sst s10  }
0x32: {  	s10 =	sld [smem:$0x3FB6];
	_ =	sdelay $0x3  }
0x33: {  	p0 =	seq.s32 s10, $0x1;
	s10 =	sld [smem:$0x3FB8];
	_ =	sdelay $0x3  }
0x34: {  	[smem:$0x3FB8] =	sst s10  }
0x35: {  	s10 =	sld [smem:$0x3FB7];
	_ =	sdelay $0x3  }
0x36: {  	p1 =	seq.s32 s10, $0x1;
	s10 =	sld [smem:$0x3FB8];
	_ =	sdelay $0x3  }
0x37: {  	[smem:$0x3FB8] =	sst s10  }
0x38: {  	s10 =	sld [smem:$0x3FB9]  }
0x39: {  	_ = 	snop;
	(pc) =	sbr.ind lr, $3  }
0x3a: {  	_ = 	snop  }
0x3b: {  	_ = 	snop  }
0x3c: {  	p2 =	seq.s32 s10, $0x1;
	s10 =	sld [smem:$0x3FB8]  }
0x3d: {  	_ =	shalt  }
0x3e: {  	_ =	shalt  }
0x3f: {  	_ =	shalt  }
0x40: {  	_ =	shalt  }
0x41: {  	_ =	shalt  }
0x42: {  	_ =	shalt  }
0x43: {  	_ =	shalt  }
0x44: {  	_ =	shalt  }
0x45: {  	_ =	shalt  }
0x46: {  	_ =	shalt  }
0x47: {  	_ =	shalt  }
0x48: {  	_ =	shalt  }
0x49: {  	_ =	shalt  }
0x4a: {  	_ =	shalt  }
0x4b: {  	_ =	shalt  }
0x4c: {  	_ =	shalt  }
0x4d: {  	_ =	shalt  }
0x4e: {  	_ =	shalt  }
0x4f: {  	_ =	shalt  }
0x50: {  	_ =	shalt  }
0x51: {  	_ =	shalt  }
0x52: {  	_ =	shalt  }
0x53: {  	_ =	shalt  }
0x54: {  	_ =	shalt  }
0x55: {  	_ =	shalt  }
0x56: {  	_ =	shalt  }
0x57: {  	_ =	shalt  }
0x58: {  	_ =	shalt  }
0x59: {  	_ =	shalt  }
0x5a: {  	_ =	shalt  }
0x5b: {  	_ =	shalt  }
0x5c: {  	_ =	shalt  }
0x5d: {  	_ =	shalt  }
0x5e: {  	_ =	shalt  }
0x5f: {  	_ =	shalt  }
0x60: {  	_ =	shalt  }
0x61: {  	_ =	shalt  }
0x62: {  	_ =	shalt  }
0x63: {  	_ =	shalt  }
0x64: {  	_ =	shalt  }
0x65: {  	_ =	shalt  }
0x66: {  	_ =	shalt  }
0x67: {  	_ =	shalt  }
0x68: {  	_ =	shalt  }
0x69: {  	_ =	shalt  }
0x6a: {  	_ =	shalt  }
0x6b: {  	_ =	shalt  }
0x6c: {  	_ =	shalt  }
0x6d: {  	_ =	shalt  }
0x6e: {  	_ =	shalt  }
0x6f: {  	_ =	shalt  }
0x70: {  	_ =	shalt  }
0x71: {  	_ =	shalt  }
0x72: {  	_ =	shalt  }
0x73: {  	_ =	shalt  }
0x74: {  	_ =	shalt  }
0x75: {  	_ =	shalt  }
0x76: {  	_ =	shalt  }
0x77: {  	_ =	shalt  }
0x78: {  	_ =	shalt  }
0x79: {  	_ =	shalt  }
0x7a: {  	_ =	shalt  }
0x7b: {  	_ =	shalt  }
0x7c: {  	_ =	shalt  }
0x7d: {  	_ =	shalt  }
0x7e: {  	_ =	shalt  }
0x7f: {  	_ =	shalt  }
0x80: {  	_ =	shalt  }
0x81: {  	_ =	shalt  }
0x82: {  	_ =	shalt  }
0x83: {  	_ =	shalt  }
0x84: {  	_ =	shalt  }
0x85: {  	_ =	shalt  }
0x86: {  	_ =	shalt  }
0x87: {  	_ =	shalt  }
.Lfunc_end0:
.L_simem_size_0:
called_computation_lowered:
.L_overlay_start_0:
0x88: {  	s2 =	sld [smem:$0x3FD9]  }
0x89: {  	s3 =	sld [smem:$0x3FFE];
	_ =	sdelay $0x1  }
0x8a: {  	s1 =	srdreg.scid  }
0x8b: {  	s0 =	sand.u32 $0x1, s1  }
0x8c: {  	s14 =	sshll.u32 s0, $0xA;
	s2 =	sadd.s32 s3, s2  }
0x8d: {  	s2 =	sadd.s32 s2, s14  }
0x8e: {  	[smem:$0x3FC4] =	sst s2  }
0x8f: {  	_ = 	snop  }
0x90: {  	s2 =	sld [smem:$0x3FD0];
	_ =	sdelay $0x2  }
0x91: {  	s4 =	simm.s32 $0xA;
	s5 =	simm.s32 $0x10;
	s15 =	sld [smem:$0x3FC9]  }
0x92: {  	[smem:s5], [sflag:s4] =	dma.local [hbm:s2], $0x1  }
0x93: {  	_ =	swait.eq [sflag:s4], $0x1  }
0x94: {  	s16 =	sld [smem:$0x10];
	[sflag:s4] =	ssyncset.done $0x0  }
0x95: {  	s17 =	sld [smem:$0x11];
	[sflag:s4] =	ssyncadd.s32 $0xFFFFFFFF  }
0x96: {  	s18 =	sld [smem:$0x13];
	(tm) =	ssettm $0x1  }
0x97: {  	s6 =	sld [smem:$0x3FFB];
	_ =	sdelay $0x3  }
0x98: {  	_ =	strace s6  }
0x99: {  	s6 =	sld [smem:$0x3FFC];
	_ =	sdelay $0x3  }
0x9a: {  	_ =	strace s6  }
0x9b: {  	s6 =	sld [smem:$0x3FFD];
	_ =	sdelay $0x3  }
0x9c: {  	_ =	strace s6  }
0x9d: {  	_ =	strace $0x8FFFFFFF  }
0x9e: {  	s19 =	sld [smem:$0x3FDB];
	_ =	sdelay $0x1  }
0x9f: {  	s7 =	simm.s32 $_scs_section_size  }
0xa0: {  	s8 =	simm.s32 $_size__tile_overlayer_lowered;
	s9 =	simm.s32 $_tile_overlayer_lowered  }
0xa1: {  	s22 =	simm.s32 $0x1BFF;
	s21 =	sshll.u32 s9, $0x1;
	s6 =	sadd.s32 s7, s19  }
0xa2: {  	s10 =	simm.s32 $0x0;
	s20 =	sshll.u32 s8, $0x1;
	s8 =	sadd.s32 s21, s6  }
0xa3: {  	[timem:s10], [sflag:s22] =	dma.local [hbm:s8], s20  }
0xa4: {  	_ =	swait.ge [sflag:s22], s20  }
0xa5: {  	s7 =	ssub.s32 $0x0, s20;
	[sflag:s22] =	ssyncset.done $0x0  }
0xa6: {  	[sflag:s22] =	ssyncadd.s32 s7;
	_ =	sdelay $0x1  }
0xa7: {  	s23 =	simm.s32 $0x1B8B  }
0xa8: {  	_ =	swait.ge [sflag:s23], $0x1  }
0xa9: {  	[sflag:s23] =	ssyncset.done $0x0  }
0xaa: {  	s25 =	simm.s32 $0x1B8E;
	s24 =	sld [smem:$0x3FFE];
	[sflag:s23] =	ssyncadd.s32 $0xFFFFFFFF  }
0xab: {  	s26 =	simm.s32 $execute0_lowered;
	[smem:$0x3FD2] =	sst s25  }
0xac: {  	s8 =	sshll.u32 s26, $0x1;
	_ =	strace $0x80000046;
	[dreg:$0x1] =	wrdreg $0xFFFFFFFF  }
0xad: {  	s28 =	simm.s32 $_size_execute0_lowered;
	s6 =	sadd.s32 s6, s8;
	[dreg:$0x0] =	wrdreg $0x0  }
0xae: {  	s8 =	sshll.u32 s28, $0x1;
	[dreg:$0x2] =	wrdreg s6  }
0xaf: {  	[dreg:$0x3] =	wrdreg s8  }
0xb0: {  	[dreg:$0x4] =	wrdreg $0xC0  }
0xb1: {  	_ =	task [dreg:s10], $0x5FFFF  }
0xb2: {  	[dreg:$0x1] =	wrdreg $0xFFFFFFFF  }
0xb3: {  	[dreg:$0x0] =	wrdreg $0x60  }
0xb4: {  	[dreg:$0x2] =	wrdreg s24  }
0xb5: {  	[dreg:$0x3] =	wrdreg s15  }
0xb6: {  	[dreg:$0x4] =	wrdreg s17  }
0xb7: {  	[dreg:$0x5] =	wrdreg s16  }
0xb8: {  	[dreg:$0x6] =	wrdreg s18  }
0xb9: {  	[dreg:$0x7] =	wrdreg $0x9  }
0xba: {  	_ =	task.clear_ibuf [dreg:s10], $0x8FFFF;
	_ =	strace $0x90000046  }
0xbb: {  	s29 =	simm.s32 $0x9;
	_ =	strace $0x80000048  }
0xbc: {  	_ =	swait.ge [sflag:s29], $0x1  }
0xbd: {  	[sflag:s29] =	ssyncadd.s32 $0xFFFFFFFF  }
0xbe: {  	_ =	strace $0x90000048  }
0xbf: {  	_ =	sfence  }
0xc0: {  	s30 =	sld [smem:$0x0];
	_ =	sdelay $0x2  }
0xc1: {  	s31 =	sshll.u32 s1, $0xD;
	s1 =	sshrl.u32 s1, $0x2  }
0xc2: {  	s3 =	sand.u32 $0x4000, s31;
	s1 =	sadd.s32 s1, s30  }
0xc3: {  	s0 =	sor.u32 s3, s0;
	s1 =	sshll.u32 s1, $0x11  }
0xc4: {  	s0 =	sor.u32 s1, s0  }
0xc5: {  	s0 =	sadd.s32 $0x8F2B, s0  }
0xc6: {  	[sflag:s0] =	ssyncadd.remote.s32 $0x1  }
0xc7: {  	_ =	sfence.sel $0xFFFF  }
0xc8: {  	[dreg:$0x0] =	wrdreg $0xFFFFFFFF;
	(pc) =	sbr.abs _section_cstart, $3  }
0xc9: {  	[dreg:$0x1] =	wrdreg $0xFFFFFFFF  }
0xca: {  	_ =	task.clear_ibuf [dreg:s10], $0x2FFFF;
	_ =	strace $0x9FFFFFFF  }
0xcb: {  	(tm) =	ssettm $0x7FFFFFFF  }
tec
execute0_lowered:
.L_overlay_start_1:
0x0: {  	(tag) =	ssettag $0x1  }
0x1: {  	s0 =	rddreg [dreg:$0x0]  }
0x2: {  	s1 =	rddreg [dreg:$0x1]  }
0x3: {  	s3 =	rddreg [dreg:$0x2]  }
0x4: {  	s2 =	rddreg [dreg:$0x3];
	s5 =	srdreg.scid  }
0x5: {  	s6 =	stileid.u32;
	s4 =	simm.s32 $0x0;
	s15 =	simm.s32 $0xCA00  }
0x6: {  	s16 =	simm.s32 $0x2;
	s18 =	simm.s32 $0x9000;
	s19 =	simm.s32 $0x9800  }
0x7: {  	s20 =	simm.s32 $0xA000;
	s21 =	simm.s32 $0xA800;
	s22 =	simm.s32 $0xB000  }
0x8: {  	s23 =	simm.s32 $0xB800;
	s28 =	simm.s32 $0x16800;
	s29 =	simm.s32 $0x18F80  }
0x9: {  	s30 =	simm.s32 $0x11900;
	s31 =	simm.s32 $0x0;
	s7 =	sand.u32 $0x1, s5  }
0xa: {  	s24 =	sshll.u32 s6, $0x1;
	[smem:$0x7FF] =	sst s4;
	s5 =	sadd.s32 $0x800, s0  }
0xb: {  	s6 =	sadd.s32 $0x200, s0;
	s17 =	sor.u32 s7, s24;
	_ =	strace $0x80000047  }
0xc: {  	s9 =	ssub.s32 $0x2, s7;
	s7 =	sadd.s32 $0x14800, s0;
	s8 =	smul.u32 $0x32, s17  }
0xd: {  	s0 =	sadd.s32 $0xE00, s0;
	s24 =	simm.s32 $0xC000;
	s10 =	smul.u32 $0x4E20, s17  }
0xe: {  	s11 =	sshrl.u32 s9, $0x1;
	s12 =	smul.u32 $0x1900, s17;
	p0 =	sgt.u32 s17, $0x18  }
0xf: {  	p1 =	seq.s32 s17, $0x1A;
	p2 =	sne.s32 s17, $0x19;
	s17 =	simm.s32 $0x8800  }
0x10: {  	s14 =	ssub.s32 s9, s11;
	s25 =	sshrl.u32 s10, $0x3;
	s8 =	sadd.s32 s5, s8  }
0x11: {  	s9 =	sadd.s32 s1, s12;
	s14 =	smax.u32 s14, $0x1;
	s26 =	sadd.s32 $0x4E2, s25  }
0x12: {  	s10 =	sadd.s32 s3, s25;
	s11 =	sadd.s32 s0, s25;
	s25 =	simm.s32 $0x1  }
0x13: {  	vm0 =	vmmov $0xffff;
	v0 =	vlaneseq.u32;
	s12 =	sadd.s32 s3, s26;
	s13 =	sadd.s32 s0, s26;
	s26 =	simm.s32 $0x14080  }
.LBB2_1:
.Ltmp0:
0x14: {  	(pc) =	sbr.rel @p0 .LBB2_3-.Ltmp0, $4  }
0x15: {  	[tilespmem:s15], [sflag:$0x2] =	stream.linear.gather [hbm4b:s5+s4], $0x2780, $0x38;
	[tilespmem:$0x1B700] =	vst v63  }
0x16: {  	_ =	swait.ge [sflag:s16], $0x2780  }
0x17: {  	[sflag:s16] =	ssyncset.done $0x0  }
0x18: {  	[sflag:s16] =	ssyncadd.s32 $0xFFFFD880  }
0x19: {  	s0 =	simm.s32 $0xC800  }
0x1a: {  	[tilespmem:s0], [sflag:$0x2] =	stream.linear.gather [hbm4b:s8+s4], $0x190, $0x38;
	[tilespmem:$0x1B700] =	vst v63  }
0x1b: {  	_ =	swait.ge [sflag:s16], $0x190  }
0x1c: {  	[sflag:s16] =	ssyncset.done $0x0  }
0x1d: {  	[sflag:s16] =	ssyncadd.s32 $0xFFFFFE70  }
0x1e: {  	[tilespmem:s4], [sflag:$0x2] =	stream.linear.gather [hbm4b:s9+s4], $0xC800, $0x38;
	[tilespmem:$0x1B700] =	vst v63  }
0x1f: {  	_ =	swait.ge [sflag:s16], $0xC800  }
0x20: {  	[sflag:s16] =	ssyncset.done $0x0  }
0x21: {  	[sflag:s16] =	ssyncadd.s32 $0xFFFF3800  }
0x22: {  	v1 =	vld [tilespmem:$0xC800];
	_ =	sdelay $0x7  }
0x23: {  	[hbm4b:s2+s4] =	stream.indirect_vreg.scatter [tilespmem:s4], [sflag:$0x1], $0x80, v1, vm0, $0xb8;
	[tilespmem:$0x1B700] =	vst v63  }
0x24: {  	v1 =	vld [tilespmem:$0xC810];
	_ =	sdelay $0x6  }
0x25: {  	s1 =	simm.s32 $0x800  }
0x26: {  	[hbm4b:s2+s4] =	stream.indirect_vreg.scatter [tilespmem:s1], [sflag:$0x1], $0x80, v1, vm0, $0xb8;
	[tilespmem:$0x1B700] =	vst v63  }
0x27: {  	v1 =	vld [tilespmem:$0xC820];
	_ =	sdelay $0x6  }
0x28: {  	s3 =	simm.s32 $0x1000  }
0x29: {  	[hbm4b:s2+s4] =	stream.indirect_vreg.scatter [tilespmem:s3], [sflag:$0x1], $0x80, v1, vm0, $0xb8;
	[tilespmem:$0x1B700] =	vst v63  }
0x2a: {  	v1 =	vld [tilespmem:$0xC830];
	_ =	sdelay $0x6  }
0x2b: {  	s1 =	simm.s32 $0x1800  }
0x2c: {  	[hbm4b:s2+s4] =	stream.indirect_vreg.scatter [tilespmem:s1], [sflag:$0x1], $0x80, v1, vm0, $0xb8;
	[tilespmem:$0x1B700] =	vst v63  }
0x2d: {  	v1 =	vld [tilespmem:$0xC840];
	_ =	sdelay $0x6  }
0x2e: {  	s3 =	simm.s32 $0x2000  }
0x2f: {  	[hbm4b:s2+s4] =	stream.indirect_vreg.scatter [tilespmem:s3], [sflag:$0x1], $0x80, v1, vm0, $0xb8;
	[tilespmem:$0x1B700] =	vst v63  }
0x30: {  	v1 =	vld [tilespmem:$0xC850];
	_ =	sdelay $0x6  }
0x31: {  	s1 =	simm.s32 $0x2800  }
0x32: {  	[hbm4b:s2+s4] =	stream.indirect_vreg.scatter [tilespmem:s1], [sflag:$0x1], $0x80, v1, vm0, $0xb8;
	[tilespmem:$0x1B700] =	vst v63  }
0x33: {  	v1 =	vld [tilespmem:$0xC860];
	_ =	sdelay $0x6  }
0x34: {  	s3 =	simm.s32 $0x3000  }
0x35: {  	[hbm4b:s2+s4] =	stream.indirect_vreg.scatter [tilespmem:s3], [sflag:$0x1], $0x80, v1, vm0, $0xb8;
	[tilespmem:$0x1B700] =	vst v63  }
0x36: {  	v1 =	vld [tilespmem:$0xC870];
	_ =	sdelay $0x6  }
0x37: {  	s1 =	simm.s32 $0x3800  }
0x38: {  	[hbm4b:s2+s4] =	stream.indirect_vreg.scatter [tilespmem:s1], [sflag:$0x1], $0x80, v1, vm0, $0xb8;
	[tilespmem:$0x1B700] =	vst v63  }
0x39: {  	v1 =	vld [tilespmem:$0xC880];
	_ =	sdelay $0x6  }
0x3a: {  	s3 =	simm.s32 $0x4000  }
0x3b: {  	[hbm4b:s2+s4] =	stream.indirect_vreg.scatter [tilespmem:s3], [sflag:$0x1], $0x80, v1, vm0, $0xb8;
	[tilespmem:$0x1B700] =	vst v63  }
0x3c: {  	v1 =	vld [tilespmem:$0xC890];
	_ =	sdelay $0x6  }
0x3d: {  	s1 =	simm.s32 $0x4800  }
0x3e: {  	[hbm4b:s2+s4] =	stream.indirect_vreg.scatter [tilespmem:s1], [sflag:$0x1], $0x80, v1, vm0, $0xb8;
	[tilespmem:$0x1B700] =	vst v63  }
0x3f: {  	v1 =	vld [tilespmem:$0xC8A0];
	_ =	sdelay $0x6  }
0x40: {  	s3 =	simm.s32 $0x5000  }
0x41: {  	[hbm4b:s2+s4] =	stream.indirect_vreg.scatter [tilespmem:s3], [sflag:$0x1], $0x80, v1, vm0, $0xb8;
	[tilespmem:$0x1B700] =	vst v63  }
0x42: {  	v1 =	vld [tilespmem:$0xC8B0];
	_ =	sdelay $0x6  }
0x43: {  	s1 =	simm.s32 $0x5800  }
0x44: {  	[hbm4b:s2+s4] =	stream.indirect_vreg.scatter [tilespmem:s1], [sflag:$0x1], $0x80, v1, vm0, $0xb8;
	[tilespmem:$0x1B700] =	vst v63  }
0x45: {  	v1 =	vld [tilespmem:$0xC8C0];
	_ =	sdelay $0x6  }
0x46: {  	s3 =	simm.s32 $0x6000  }
0x47: {  	[hbm4b:s2+s4] =	stream.indirect_vreg.scatter [tilespmem:s3], [sflag:$0x1], $0x80, v1, vm0, $0xb8;
	[tilespmem:$0x1B700] =	vst v63  }
0x48: {  	v1 =	vld [tilespmem:$0xC8D0];
	_ =	sdelay $0x6  }
0x49: {  	s1 =	simm.s32 $0x6800  }
0x4a: {  	[hbm4b:s2+s4] =	stream.indirect_vreg.scatter [tilespmem:s1], [sflag:$0x1], $0x80, v1, vm0, $0xb8;
	[tilespmem:$0x1B700] =	vst v63  }
0x4b: {  	v1 =	vld [tilespmem:$0xC8E0];
	_ =	sdelay $0x6  }
0x4c: {  	s3 =	simm.s32 $0x7000  }
0x4d: {  	[hbm4b:s2+s4] =	stream.indirect_vreg.scatter [tilespmem:s3], [sflag:$0x1], $0x80, v1, vm0, $0xb8;
	[tilespmem:$0x1B700] =	vst v63  }
0x4e: {  	v1 =	vld [tilespmem:$0xC8F0];
	_ =	sdelay $0x6  }
0x4f: {  	s1 =	simm.s32 $0x7800  }
0x50: {  	[hbm4b:s2+s4] =	stream.indirect_vreg.scatter [tilespmem:s1], [sflag:$0x1], $0x80, v1, vm0, $0xb8;
	[tilespmem:$0x1B700] =	vst v63  }
0x51: {  	v1 =	vld [tilespmem:$0xC900];
	_ =	sdelay $0x6  }
0x52: {  	s3 =	simm.s32 $0x8000  }
0x53: {  	[hbm4b:s2+s4] =	stream.indirect_vreg.scatter [tilespmem:s3], [sflag:$0x1], $0x80, v1, vm0, $0xb8;
	[tilespmem:$0x1B700] =	vst v63  }
0x54: {  	v1 =	vld [tilespmem:$0xC910];
	_ =	sdelay $0x7  }
0x55: {  	[hbm4b:s2+s4] =	stream.indirect_vreg.scatter [tilespmem:s17], [sflag:$0x1], $0x80, v1, vm0, $0xb8;
	[tilespmem:$0x1B700] =	vst v63  }
0x56: {  	v1 =	vld [tilespmem:$0xC920];
	_ =	sdelay $0x7  }
0x57: {  	[hbm4b:s2+s4] =	stream.indirect_vreg.scatter [tilespmem:s18], [sflag:$0x1], $0x80, v1, vm0, $0xb8;
	[tilespmem:$0x1B700] =	vst v63  }
0x58: {  	v1 =	vld [tilespmem:$0xC930];
	_ =	sdelay $0x7  }
0x59: {  	[hbm4b:s2+s4] =	stream.indirect_vreg.scatter [tilespmem:s19], [sflag:$0x1], $0x80, v1, vm0, $0xb8;
	[tilespmem:$0x1B700] =	vst v63  }
0x5a: {  	v1 =	vld [tilespmem:$0xC940];
	_ =	sdelay $0x7  }
0x5b: {  	[hbm4b:s2+s4] =	stream.indirect_vreg.scatter [tilespmem:s20], [sflag:$0x1], $0x80, v1, vm0, $0xb8;
	[tilespmem:$0x1B700] =	vst v63  }
0x5c: {  	v1 =	vld [tilespmem:$0xC950];
	_ =	sdelay $0x7  }
0x5d: {  	[hbm4b:s2+s4] =	stream.indirect_vreg.scatter [tilespmem:s21], [sflag:$0x1], $0x80, v1, vm0, $0xb8;
	[tilespmem:$0x1B700] =	vst v63  }
0x5e: {  	v1 =	vld [tilespmem:$0xC960];
	_ =	sdelay $0x7  }
0x5f: {  	[hbm4b:s2+s4] =	stream.indirect_vreg.scatter [tilespmem:s22], [sflag:$0x1], $0x80, v1, vm0, $0xb8;
	[tilespmem:$0x1B700] =	vst v63  }
0x60: {  	v1 =	vld [tilespmem:$0xC970];
	_ =	sdelay $0x7  }
0x61: {  	[hbm4b:s2+s4] =	stream.indirect_vreg.scatter [tilespmem:s23], [sflag:$0x1], $0x80, v1, vm0, $0xb8;
	[tilespmem:$0x1B700] =	vst v63  }
0x62: {  	v1 =	vld [tilespmem:$0xC980];
	_ =	sdelay $0x7  }
0x63: {  	[hbm4b:s2+s4] =	stream.indirect_vreg.scatter [tilespmem:s24], [sflag:$0x1], $0x80, v1, vm0, $0xb8;
	[tilespmem:$0x1B700] =	vst v63  }
0x64: {  	_ =	swait.ge [sflag:s25], $0x800  }
0x65: {  	[sflag:s25] =	ssyncset.done $0x0  }
0x66: {  	[sflag:s25] =	ssyncadd.s32 $0xFFFFF800  }
0x67: {  	_ =	swait.ge [sflag:s25], $0x800  }
0x68: {  	[sflag:s25] =	ssyncset.done $0x0  }
0x69: {  	[sflag:s25] =	ssyncadd.s32 $0xFFFFF800  }
0x6a: {  	_ =	swait.ge [sflag:s25], $0x800  }
0x6b: {  	[sflag:s25] =	ssyncset.done $0x0  }
0x6c: {  	[sflag:s25] =	ssyncadd.s32 $0xFFFFF800  }
0x6d: {  	_ =	swait.ge [sflag:s25], $0x800  }
0x6e: {  	[sflag:s25] =	ssyncset.done $0x0  }
0x6f: {  	[sflag:s25] =	ssyncadd.s32 $0xFFFFF800  }
0x70: {  	_ =	swait.ge [sflag:s25], $0x800  }
0x71: {  	[sflag:s25] =	ssyncset.done $0x0  }
0x72: {  	[sflag:s25] =	ssyncadd.s32 $0xFFFFF800  }
0x73: {  	_ =	swait.ge [sflag:s25], $0x800  }
0x74: {  	[sflag:s25] =	ssyncset.done $0x0  }
0x75: {  	[sflag:s25] =	ssyncadd.s32 $0xFFFFF800  }
0x76: {  	_ =	swait.ge [sflag:s25], $0x800  }
0x77: {  	[sflag:s25] =	ssyncset.done $0x0  }
0x78: {  	[sflag:s25] =	ssyncadd.s32 $0xFFFFF800  }
0x79: {  	_ =	swait.ge [sflag:s25], $0x800  }
0x7a: {  	[sflag:s25] =	ssyncset.done $0x0  }
0x7b: {  	[sflag:s25] =	ssyncadd.s32 $0xFFFFF800  }
0x7c: {  	_ =	swait.ge [sflag:s25], $0x800  }
0x7d: {  	[sflag:s25] =	ssyncset.done $0x0  }
0x7e: {  	[sflag:s25] =	ssyncadd.s32 $0xFFFFF800  }
0x7f: {  	_ =	swait.ge [sflag:s25], $0x800  }
0x80: {  	[sflag:s25] =	ssyncset.done $0x0  }
0x81: {  	[sflag:s25] =	ssyncadd.s32 $0xFFFFF800  }
0x82: {  	_ =	swait.ge [sflag:s25], $0x800  }
0x83: {  	[sflag:s25] =	ssyncset.done $0x0  }
0x84: {  	[sflag:s25] =	ssyncadd.s32 $0xFFFFF800  }
0x85: {  	_ =	swait.ge [sflag:s25], $0x800  }
0x86: {  	[sflag:s25] =	ssyncset.done $0x0  }
0x87: {  	[sflag:s25] =	ssyncadd.s32 $0xFFFFF800  }
0x88: {  	_ =	swait.ge [sflag:s25], $0x800  }
0x89: {  	[sflag:s25] =	ssyncset.done $0x0  }
0x8a: {  	[sflag:s25] =	ssyncadd.s32 $0xFFFFF800  }
0x8b: {  	_ =	swait.ge [sflag:s25], $0x800  }
0x8c: {  	[sflag:s25] =	ssyncset.done $0x0  }
0x8d: {  	[sflag:s25] =	ssyncadd.s32 $0xFFFFF800  }
0x8e: {  	_ =	swait.ge [sflag:s25], $0x800  }
0x8f: {  	[sflag:s25] =	ssyncset.done $0x0  }
0x90: {  	[sflag:s25] =	ssyncadd.s32 $0xFFFFF800  }
0x91: {  	_ =	swait.ge [sflag:s25], $0x800  }
0x92: {  	[sflag:s25] =	ssyncset.done $0x0  }
0x93: {  	[sflag:s25] =	ssyncadd.s32 $0xFFFFF800  }
0x94: {  	_ =	swait.ge [sflag:s25], $0x800  }
0x95: {  	[sflag:s25] =	ssyncset.done $0x0  }
0x96: {  	[sflag:s25] =	ssyncadd.s32 $0xFFFFF800  }
0x97: {  	_ =	swait.ge [sflag:s25], $0x800  }
0x98: {  	[sflag:s25] =	ssyncset.done $0x0  }
0x99: {  	[sflag:s25] =	ssyncadd.s32 $0xFFFFF800  }
0x9a: {  	_ =	swait.ge [sflag:s25], $0x800  }
0x9b: {  	[sflag:s25] =	ssyncset.done $0x0  }
0x9c: {  	[sflag:s25] =	ssyncadd.s32 $0xFFFFF800  }
0x9d: {  	_ =	swait.ge [sflag:s25], $0x800  }
0x9e: {  	[sflag:s25] =	ssyncset.done $0x0  }
0x9f: {  	[sflag:s25] =	ssyncadd.s32 $0xFFFFF800  }
0xa0: {  	_ =	swait.ge [sflag:s25], $0x800  }
0xa1: {  	[sflag:s25] =	ssyncset.done $0x0  }
0xa2: {  	[sflag:s25] =	ssyncadd.s32 $0xFFFFF800  }
0xa3: {  	_ =	swait.ge [sflag:s25], $0x800  }
0xa4: {  	[sflag:s25] =	ssyncset.done $0x0  }
0xa5: {  	[sflag:s25] =	ssyncadd.s32 $0xFFFFF800  }
0xa6: {  	_ =	swait.ge [sflag:s25], $0x800  }
0xa7: {  	[sflag:s25] =	ssyncset.done $0x0  }
0xa8: {  	[sflag:s25] =	ssyncadd.s32 $0xFFFFF800  }
0xa9: {  	_ =	swait.ge [sflag:s25], $0x800  }
0xaa: {  	[sflag:s25] =	ssyncset.done $0x0  }
0xab: {  	[sflag:s25] =	ssyncadd.s32 $0xFFFFF800  }
0xac: {  	_ =	swait.ge [sflag:s25], $0x800  }
0xad: {  	[sflag:s25] =	ssyncset.done $0x0  }
0xae: {  	[sflag:s25] =	ssyncadd.s32 $0xFFFFF800  }
.LBB2_3:
.Ltmp1:
0xaf: {  	(pc) =	sbr.rel @p1 .LBB2_8-.Ltmp1, $1  }
0xb0: {  	_ =	sdelay $0x3  }
.Ltmp2:
0xb1: {  	(pc) =	sbr.rel @p2 .LBB2_12-.Ltmp2, $1  }
0xb2: {  	_ =	sdelay $0x3  }
0xb3: {  	s0 =	simm.s32 $0xCA00  }
0xb4: {  	s1 =	simm.s32 $0x0;
	s3 =	simm.s32 $0x10;
	v1 =	vld [tilespmem:s0+$0x0]  }
.LBB2_6:
0xb5: {  	p3 =	sne.s32 s3, $0x2700;
	_ =	sdelay $0x3  }
.Ltmp3:
0xb6: {  	(pc) =	sbr.rel @p3 .LBB2_6-.Ltmp3, $4  }
0xb7: {  	_ = 	snop  }
0xb8: {  	v2 =	vor.u32 s1, v0;
	s1 =	smov.u32 s3  }
0xb9: {  	s0 =	sadd.s32 $0x10, s0;
	[tilespmem:v1+s30+$0x0] =	vst.idx.msk $0xffff, v2  }
0xba: {  	s3 =	sadd.s32 $0x10, s3;
	v1 =	vld [tilespmem:s0+$0x0]  }
0xbb: {  	_ =	sdelay $0x4  }
.Ltmp4:
0xbc: {  	_ = 	snop;
	(pc) =	sbr.rel .LBB2_11-.Ltmp4, $4  }
0xbd: {  	_ = 	snop  }
0xbe: {  	v2 =	vor.u32 s1, v0  }
0xbf: {  	s0 =	rddreg [dreg:$0x4];
	[tilespmem:v1+s30+$0x0] =	vst.idx.msk $0xffff, v2  }
0xc0: {  	[hbm4b:s0+s4] =	stream.linear.scatter [tilespmem:s30], [sflag:$0x2], $0x2780, $0x38;
	[tilespmem:$0x1B700] =	vst v63  }
.LBB2_8:
0xc1: {  	s0 =	simm.s32 $0x0;
	s1 =	simm.s32 $0xF180  }
0xc2: {  	[tilespmem:s1], [sflag:$0x2] =	stream.linear.gather [hbm4b:s6+s0], $0x2780, $0x38;
	[tilespmem:$0x1B700] =	vst v63  }
0xc3: {  	_ =	swait.ge [sflag:s16], $0x2780  }
0xc4: {  	[sflag:s16] =	ssyncset.done $0x0  }
0xc5: {  	s1 =	simm.s32 $0x0;
	s0 =	simm.s32 $0x40;
	[sflag:s16] =	ssyncadd.s32 $0xFFFFD880  }
.LBB2_9:
0xc6: {  	p3 =	sne.s32 s0, $0x9C00;
	v1 =	vld [tilespmem:s1+$0xCA00];
	_ =	sdelay $0x2  }
0xc7: {  	v2 =	vld [tilespmem:s1+$0xF180]  }
.Ltmp5:
0xc8: {  	(pc) =	sbr.rel @p3 .LBB2_9-.Ltmp5, $2  }
0xc9: {  	_ =	sdelay $0x2  }
0xca: {  	s1 =	sshra.s32 s0, $0x2;
	s0 =	sadd.s32 $0x40, s0;
	[tilespmem:v1+s26+$0x0] =	vst.idx.msk $0xffff, v2  }
0xcb: {  	v1 =	vld [tilespmem:s1+$0xCA00];
	_ =	sdelay $0x2  }
0xcc: {  	v2 =	vld [tilespmem:s1+$0xF180];
	_ =	sdelay $0x4  }
0xcd: {  	[tilespmem:v1+s26+$0x0] =	vst.idx.msk $0xffff, v2  }
0xce: {  	[hbm4b:s7+s4] =	stream.linear.scatter [tilespmem:s26], [sflag:$0x2], $0x2780, $0x38;
	[tilespmem:$0x1B700] =	vst v63  }
.LBB2_11:
0xcf: {  	_ =	swait.ge [sflag:s16], $0x2780  }
0xd0: {  	[sflag:s16] =	ssyncset.done $0x0  }
0xd1: {  	[sflag:s16] =	ssyncadd.s32 $0xFFFFD880  }
.LBB2_12:
0xd2: {  	s0 =	simm.s32 $0x0  }
0xd3: {  	[tilespmem:s28], [sflag:$0x2] =	stream.linear.gather [hbm4b:s10+s0], $0x2710, $0x38;
	[tilespmem:$0x1B700] =	vst v63  }
0xd4: {  	_ =	swait.ge [sflag:s16], $0x2710  }
0xd5: {  	[sflag:s16] =	ssyncset.done $0x0  }
0xd6: {  	s0 =	simm.s32 $0x0;
	[sflag:s16] =	ssyncadd.s32 $0xFFFFD8F0  }
0xd7: {  	v1 =	vld [tilespmem:s0+$0x16800];
	_ =	sdelay $0x7  }
0xd8: {  	s1 =	simm.s32 $0x10;
	s3 =	simm.s32 $0x80;
	v1 =	vld.idx.msk [tilespmem:v1+s15+$0x0], $0xffff  }
.LBB2_13:
0xd9: {  	p3 =	sne.s32 s3, $0x9C00;
	v2 =	vld [tilespmem:s1+$0x16800];
	_ =	sdelay $0x3  }
.Ltmp6:
0xda: {  	(pc) =	sbr.rel @p3 .LBB2_13-.Ltmp6, $2  }
0xdb: {  	[tilespmem:s0+$0x18F80] =	vst v1;
	s0 =	smov.u32 s1;
	_ =	sdelay $0x2  }
0xdc: {  	s1 =	sshra.s32 s3, $0x2;
	s3 =	sadd.s32 $0x40, s3;
	v1 =	vld.idx.msk [tilespmem:v2+s15+$0x0], $0xffff  }
0xdd: {  	v2 =	vld [tilespmem:s1+$0x16800];
	_ =	sdelay $0x6  }
0xde: {  	[tilespmem:s0+$0x18F80] =	vst v1  }
0xdf: {  	v1 =	vld.idx.msk [tilespmem:v2+s15+$0x0], $0xffff;
	_ =	sdelay $0x4  }
0xe0: {  	s3 =	simm.s32 $0x0;
	[tilespmem:s1+$0x18F80] =	vst v1  }
0xe1: {  	[hbm4b:s11+s3] =	stream.linear.scatter [tilespmem:s29], [sflag:$0x2], $0x2710, $0x38;
	[tilespmem:$0x1B700] =	vst v63  }
0xe2: {  	_ =	swait.ge [sflag:s16], $0x2710  }
0xe3: {  	[sflag:s16] =	ssyncset.done $0x0  }
0xe4: {  	[sflag:s16] =	ssyncadd.s32 $0xFFFFD8F0  }
0xe5: {  	[tilespmem:s28], [sflag:$0x2] =	stream.linear.gather [hbm4b:s12+s3], $0x2710, $0x38;
	[tilespmem:$0x1B700] =	vst v63  }
0xe6: {  	_ =	swait.ge [sflag:s16], $0x2710  }
0xe7: {  	[sflag:s16] =	ssyncset.done $0x0  }
0xe8: {  	s0 =	simm.s32 $0x0;
	[sflag:s16] =	ssyncadd.s32 $0xFFFFD8F0  }
0xe9: {  	v1 =	vld [tilespmem:s0+$0x16800];
	_ =	sdelay $0x7  }
0xea: {  	s1 =	simm.s32 $0x10;
	s3 =	simm.s32 $0x80;
	v1 =	vld.idx.msk [tilespmem:v1+s15+$0x0], $0xffff  }
.LBB2_15:
0xeb: {  	p3 =	sne.s32 s3, $0x9C00;
	v2 =	vld [tilespmem:s1+$0x16800];
	_ =	sdelay $0x3  }
.Ltmp7:
0xec: {  	(pc) =	sbr.rel @p3 .LBB2_15-.Ltmp7, $2  }
0xed: {  	[tilespmem:s0+$0x18F80] =	vst v1;
	s0 =	smov.u32 s1;
	_ =	sdelay $0x2  }
0xee: {  	s1 =	sshra.s32 s3, $0x2;
	s3 =	sadd.s32 $0x40, s3;
	v1 =	vld.idx.msk [tilespmem:v2+s15+$0x0], $0xffff  }
0xef: {  	v2 =	vld [tilespmem:s1+$0x16800];
	_ =	sdelay $0x6  }
0xf0: {  	[tilespmem:s0+$0x18F80] =	vst v1  }
0xf1: {  	v1 =	vld.idx.msk [tilespmem:v2+s15+$0x0], $0xffff;
	_ =	sdelay $0x2  }
0xf2: {  	s31 =	sadd.s32 $0x1, s31  }
0xf3: {  	p3 =	sne.s32 s31, s14  }
.Ltmp8:
0xf4: {  	[tilespmem:s1+$0x18F80] =	vst v1;
	(pc) =	sbr.rel @p3 .LBB2_1-.Ltmp8, $4  }
0xf5: {  	[hbm4b:s13+s4] =	stream.linear.scatter [tilespmem:s29], [sflag:$0x2], $0x2710, $0x38;
	[tilespmem:$0x1B700] =	vst v63  }
0xf6: {  	_ =	swait.ge [sflag:s16], $0x2710  }
0xf7: {  	[sflag:s16] =	ssyncset.done $0x0  }
0xf8: {  	[sflag:s16] =	ssyncadd.s32 $0xFFFFD8F0  }
0xf9: {  	_ =	sfence.sel $0x180000  }
0xfa: {  	[bflag:$0x0] =	sbarrier.arrive $0xFFFF  }
0xfb: {  	_ =	strace $0x90000047  }
0xfc: {  	s0 =	stileid.u32;
	[bflag:$0x2] =	sbarrier.arrive $0xFFFF  }
0xfd: {  	p0 =	sne.s32 s0, $0x0;
	s0 =	rddreg [dreg:$0x5]  }
0xfe: {  	s0 =	sadd.s32 @!p0 $0x100000, s0  }
0xff: {  	[sflag:s0] =	ssyncadd.tile.s32 @!p0 $0x1;
	_ =	shalt  }
.Lfunc_end2:
_tile_overlayer_lowered:
.L_overlay_start_2:
0x100: {  	(tag) =	ssettag $0x2  }
0x101: {  	s0 =	rddreg [dreg:$0x0];
	s2 =	stileid.u32  }
0x102: {  	s1 =	rddreg [dreg:$0x1];
	p0 =	sne.s32 s2, $0x0  }
0x103: {  	s3 =	rddreg [dreg:$0x2];
	[bflag:$0x3] =	sbarrier.arrive $0xFFFF;
	s2 =	simm.s32 @!p0 $0x1C02  }
0x104: {  	[timem:s3], [sflag:s2] =	dma.local @!p0 [hbm:s0], s1  }
0x105: {  	s0 =	simm.s32 @!p0 $0x2  }
0x106: {  	_ =	swait.ge @!p0 [sflag:s0], s1  }
0x107: {  	s1 =	ssub.s32 @!p0 $0x0, s1;
	[sflag:s0] =	ssyncset.done @!p0 $0x0  }
0x108: {  	[sflag:s0] =	ssyncadd.s32 @!p0 s1  }
0x109: {  	[bflag:$0x3] =	sbarrier.arrive $0xFFFF  }
0x10a: {  	_ =	shalt  }

</sc_bundles>
